<compile_context>
chip_gen: v7x
topology: tpu7x:2x2x1
jax: 0.10.2.dev20260603
libtpu: 0.0.44.dev20260713+nightly
codegen_flags: <defaults>
</compile_context>

<pallas_src>
import functools

import jax
import jax.numpy as jnp
from jax import lax
from jax.experimental import pallas as pl
from jax.experimental.pallas import tpu as pltpu
from jax.experimental.pallas import tpu_sc as plsc

N = 2048
C = 1024
I = 512
E = 8
K = 2
BM = 256
GBUF = N * K + E * BM
NBLK = GBUF // BM
NW = 32
PAIRS = N * K


def _cumsum_rows(a, n):
    s = 1
    while s < n:
        shifted = jnp.concatenate(
            [jnp.zeros((s, a.shape[1]), a.dtype), a[:-s, :]], axis=0)
        a = a + shifted
        s *= 2
    return a


def _lane_cumsum(v):
    for s in (1, 2, 4):
        v = v + jnp.concatenate(
            [jnp.zeros((1, s), v.dtype), v[:, :-s]], axis=1)
    return v


def _router_body(x_ref, wg_ref, p0_ref, p1_ref, pos0_ref, pos1_ref, be_ref):
    x = x_ref[...]
    wg = wg_ref[...]
    logits = lax.dot_general(
        x, wg, (((1,), (1,)), ((), ())), preferred_element_type=jnp.float32
    )
    n, e = logits.shape
    eidx = lax.broadcasted_iota(jnp.int32, (n, e), 1)
    m0 = jnp.max(logits, axis=1, keepdims=True)
    i0 = jnp.min(jnp.where(logits == m0, eidx, e), axis=1, keepdims=True)
    masked = jnp.where(eidx == i0, -jnp.inf, logits)
    m1 = jnp.max(masked, axis=1, keepdims=True)
    i1 = jnp.min(jnp.where(masked == m1, eidx, e), axis=1, keepdims=True)
    t = jnp.exp(m1 - m0)
    p0 = 1.0 / (1.0 + t)
    p0_ref[...] = p0
    p1_ref[...] = t * p0

    oh0 = (eidx == i0).astype(jnp.float32)
    oh1 = (eidx == i1).astype(jnp.float32)
    c0 = _cumsum_rows(oh0, n)
    c1 = _cumsum_rows(oh1, n)
    s0 = c0 - oh0
    tot0 = c0[n - 1:n, :]
    s1 = tot0 + (c1 - oh1)
    tot = tot0 + c1[n - 1:n, :]
    padded = jnp.ceil(tot * (1.0 / BM)) * BM
    inc = _lane_cumsum(padded)
    offs = inc - padded
    pos0 = jnp.sum(oh0 * (s0 + offs), axis=1, keepdims=True)
    pos1 = jnp.sum(oh1 * (s1 + offs), axis=1, keepdims=True)
    pos0_ref[...] = pos0.astype(jnp.int32)
    pos1_ref[...] = pos1.astype(jnp.int32)

    inct = jnp.transpose(inc)
    bpos = lax.broadcasted_iota(jnp.int32, (e, 128), 1).astype(jnp.float32) * BM
    be = jnp.sum((bpos >= inct).astype(jnp.int32), axis=0, keepdims=True)
    be_ref[...] = be


def _mlp(xb, w1, w2, w3):
    h1 = lax.dot(xb, w1, preferred_element_type=jnp.float32)
    h2 = lax.dot(xb, w2, preferred_element_type=jnp.float32)
    g = (h1 * (1.0 / (1.0 + jnp.exp(-h1)))).astype(jnp.bfloat16)
    return lax.dot(g * h2.astype(jnp.bfloat16), w3,
                   preferred_element_type=jnp.float32)


def _gmm_body(be_ref, xs_ref, w1_ref, w2_ref, w3_ref, out_ref):
    i = pl.program_id(0)

    @pl.when(be_ref[i] < E)
    def _():
        xb = xs_ref[...].astype(jnp.bfloat16)
        out_ref[...] = _mlp(xb, w1_ref[0], w2_ref[0], w3_ref[0])


def _combine_body(r0_ref, r1_ref, xb_ref, ws1_ref, ws2_ref, ws3_ref,
                  p0_ref, p1_ref, y_ref):
    s = _mlp(xb_ref[...], ws1_ref[...], ws2_ref[...], ws3_ref[...])
    y_ref[...] = (p0_ref[...] * r0_ref[...]
                  + p1_ref[...] * r1_ref[...] + s)


def _sc_mesh():
    return plsc.VectorSubcoreMesh(core_axis_name="c", subcore_axis_name="s")


def _dispatch_call(x_flat, pos_pairs):
    tpw = PAIRS // NW
    nch = 4
    cw = tpw // nch

    @functools.partial(
        pl.kernel,
        out_type=jax.ShapeDtypeStruct((GBUF, C), jnp.float32),
        mesh=_sc_mesh(),
        scratch_types=[
            pltpu.VMEM((nch, cw), jnp.int32),
            pltpu.VMEM((cw, C), jnp.float32),
            pltpu.VMEM((cw, C), jnp.float32),
            pltpu.SemaphoreType.DMA,
            pltpu.SemaphoreType.DMA,
        ],
    )
    def dispatch(x_hbm, pos_hbm, xs_hbm, idx_v, buf0, buf1, sem0, sem1):
        w = lax.axis_index("s") * 2 + lax.axis_index("c")
        t0 = (w % (N // tpw)) * tpw
        pltpu.sync_copy(pos_hbm.at[w], idx_v)
        bufs = (buf0, buf1)
        sems = (sem0, sem1)
        cps = [None, None]
        for cc in range(nch):
            b = cc % 2
            if cps[b] is not None:
                cps[b].wait()
            pltpu.sync_copy(x_hbm.at[pl.ds(t0 + cc * cw, cw)], bufs[b])
            cps[b] = pltpu.async_copy(bufs[b], xs_hbm.at[idx_v.at[cc]],
                                      sems[b])
        for cp in cps:
            cp.wait()

    return dispatch(x_flat, pos_pairs)


def _gather_call(rows, pos0_w, pos1_w):
    tpw = N // NW
    nch = 2
    cw = tpw // nch

    @functools.partial(
        pl.kernel,
        out_type=(jax.ShapeDtypeStruct((N, C), jnp.float32),
                  jax.ShapeDtypeStruct((N, C), jnp.float32)),
        mesh=_sc_mesh(),
        scratch_types=[
            pltpu.VMEM((nch, cw), jnp.int32),
            pltpu.VMEM((nch, cw), jnp.int32),
            pltpu.VMEM((cw, C), jnp.float32),
            pltpu.VMEM((cw, C), jnp.float32),
            pltpu.SemaphoreType.DMA,
            pltpu.SemaphoreType.DMA,
        ],
    )
    def gather2(rows_hbm, pos0_hbm, pos1_hbm, r0_hbm, r1_hbm,
                i0v, i1v, b0, b1, s0, s1):
        w = lax.axis_index("s") * 2 + lax.axis_index("c")
        t0 = w * tpw
        pltpu.sync_copy(pos0_hbm.at[w], i0v)
        pltpu.sync_copy(pos1_hbm.at[w], i1v)
        for cc in range(nch):
            cp0 = pltpu.async_copy(rows_hbm.at[i0v.at[cc]], b0, s0)
            cp1 = pltpu.async_copy(rows_hbm.at[i1v.at[cc]], b1, s1)
            cp0.wait()
            cp1.wait()
            pltpu.sync_copy(b0, r0_hbm.at[pl.ds(t0 + cc * cw, cw)])
            pltpu.sync_copy(b1, r1_hbm.at[pl.ds(t0 + cc * cw, cw)])

    return gather2(rows, pos0_w, pos1_w)


def kernel(x, Wg, W1, W2, W3, Ws1, Ws2, Ws3):
    Bb, Tt, Cc = x.shape
    x_flat = x.reshape(N, C)
    x_bf = x_flat.astype(jnp.bfloat16)
    w1_bf = W1.astype(jnp.bfloat16)
    w2_bf = W2.astype(jnp.bfloat16)
    w3_bf = W3.astype(jnp.bfloat16)
    ws1_bf = Ws1.astype(jnp.bfloat16)
    ws2_bf = Ws2.astype(jnp.bfloat16)
    ws3_bf = Ws3.astype(jnp.bfloat16)

    p0, p1, pos0, pos1, be = pl.pallas_call(
        _router_body,
        out_shape=(
            jax.ShapeDtypeStruct((N, 1), jnp.float32),
            jax.ShapeDtypeStruct((N, 1), jnp.float32),
            jax.ShapeDtypeStruct((N, 1), jnp.int32),
            jax.ShapeDtypeStruct((N, 1), jnp.int32),
            jax.ShapeDtypeStruct((1, 128), jnp.int32),
        ),
    )(x_flat, Wg)

    be_vec = be[0, :NBLK]
    pos_pairs = jnp.concatenate([pos0, pos1], axis=0).reshape(NW, 4, -1)
    pos0_w = pos0.reshape(NW, 2, -1)
    pos1_w = pos1.reshape(NW, 2, -1)

    xs = _dispatch_call(x_flat, pos_pairs)

    rows = pl.pallas_call(
        _gmm_body,
        grid_spec=pltpu.PrefetchScalarGridSpec(
            num_scalar_prefetch=1,
            grid=(NBLK,),
            in_specs=[
                pl.BlockSpec((BM, C), lambda i, be_s: (i, 0)),
                pl.BlockSpec((1, C, I),
                             lambda i, be_s: (jnp.minimum(be_s[i], E - 1), 0, 0)),
                pl.BlockSpec((1, C, I),
                             lambda i, be_s: (jnp.minimum(be_s[i], E - 1), 0, 0)),
                pl.BlockSpec((1, I, C),
                             lambda i, be_s: (jnp.minimum(be_s[i], E - 1), 0, 0)),
            ],
            out_specs=pl.BlockSpec((BM, C), lambda i, be_s: (i, 0)),
        ),
        out_shape=jax.ShapeDtypeStruct((GBUF, C), jnp.float32),
    )(be_vec, xs, w1_bf, w2_bf, w3_bf)

    r0, r1 = _gather_call(rows, pos0_w, pos1_w)

    BN = 512
    y = pl.pallas_call(
        _combine_body,
        grid=(N // BN,),
        in_specs=[
            pl.BlockSpec((BN, C), lambda i: (i, 0)),
            pl.BlockSpec((BN, C), lambda i: (i, 0)),
            pl.BlockSpec((BN, C), lambda i: (i, 0)),
            pl.BlockSpec((C, I), lambda i: (0, 0)),
            pl.BlockSpec((C, I), lambda i: (0, 0)),
            pl.BlockSpec((I, C), lambda i: (0, 0)),
            pl.BlockSpec((BN, 1), lambda i: (i, 0)),
            pl.BlockSpec((BN, 1), lambda i: (i, 0)),
        ],
        out_specs=pl.BlockSpec((BN, C), lambda i: (i, 0)),
        out_shape=jax.ShapeDtypeStruct((N, C), jnp.float32),
    )(r0, r1, x_bf, ws1_bf, ws2_bf, ws3_bf, p0, p1)

    return y.reshape(Bb, Tt, Cc)

# --- scband reference (transcript-rebuilt; emitter-appended) ---
"""Pipeline reference for scband-batched-mo-e-7017976561989 (READ-ONLY COPY).

The authoritative reference and input builder live on the scoring server;
editing this copy changes nothing except your own understanding.
"""

import jax, jax.numpy as jnp
import numpy as np

E = 8          # n_expert
K = 2          # n_expert_per_token
C = 1024       # n_embd
I = 512        # moe_intermediate_size
SH = 1         # n_shared_expert
B = 1
T = 2048


def setup_inputs(seed: int = 0) -> dict:
    key = jax.random.key(seed)
    ks = jax.random.split(key, 8)
    x = jax.random.normal(ks[0], (B, T, C), dtype=jnp.float32)
    # gate: Linear(C -> E, bias=False); store as [E, C] (torch layout)
    Wg = jax.random.normal(ks[1], (E, C), dtype=jnp.float32) * 0.02
    # per-expert LLaMAMLP: fc_1 (gate proj), fc_2 (up proj), proj (down proj)
    W1 = jax.random.normal(ks[2], (E, C, I), dtype=jnp.float32) * 0.02
    W2 = jax.random.normal(ks[3], (E, C, I), dtype=jnp.float32) * 0.02
    W3 = jax.random.normal(ks[4], (E, I, C), dtype=jnp.float32) * 0.02
    # shared expert: intermediate = I * SH
    Ws1 = jax.random.normal(ks[5], (C, I * SH), dtype=jnp.float32) * 0.02
    Ws2 = jax.random.normal(ks[6], (C, I * SH), dtype=jnp.float32) * 0.02
    Ws3 = jax.random.normal(ks[7], (I * SH, C), dtype=jnp.float32) * 0.02
    return {"x": x, "Wg": Wg, "W1": W1, "W2": W2, "W3": W3,
            "Ws1": Ws1, "Ws2": Ws2, "Ws3": Ws3}


def _llama_mlp(x, w1, w2, w3):
    # out = proj(silu(fc_1(x)) * fc_2(x))
    return (jax.nn.silu(x @ w1) * (x @ w2)) @ w3


def reference(x, Wg, W1, W2, W3, Ws1, Ws2, Ws3):
    Bb, Tt, Cc = x.shape
    residual_x = x
    x_flat = x.reshape(-1, Cc)                       # [N, C]
    router = x_flat @ Wg.T                           # [N, E]
    vals, idx = jax.lax.top_k(router, K)             # [N, K]
    probs = jax.nn.softmax(vals.astype(jnp.float32), axis=-1).astype(x.dtype)
    one_hot = jax.nn.one_hot(idx, E, dtype=x.dtype)  # [N, K, E]
    expert_weights = probs[..., None] * one_hot      # [N, K, E]
    token_expert_weights = expert_weights.sum(axis=1)  # [N, E]
    # dense equivalent of the masked per-expert loop: zero-weight tokens
    # contribute nothing, so the math is identical
    expert_outs = jax.vmap(lambda w1, w2, w3: _llama_mlp(x_flat, w1, w2, w3))(W1, W2, W3)  # [E, N, C]
    y = jnp.einsum('ne,enc->nc', token_expert_weights, expert_outs)
    y = y.reshape(Bb, Tt, Cc)
    # shared expert on the residual input
    y = y + _llama_mlp(residual_x, Ws1, Ws2, Ws3)
    return y

if __name__ == "__main__":
    import jax
    _d = setup_inputs()
    print(jax.jit(kernel)(*tuple(_d.values())))

</pallas_src>

<mosaic_0001>
#map = affine_map<(d0, d1) -> (0, 0)>
#map1 = affine_map<(d0, d1) -> (0, 0, 0)>
module attributes {stable_mosaic.version = 14 : i64} {
  func.func @gather2(%arg0: i32, %arg1: i32, %arg2: memref<6144x1024xf32, #tpu.memory_space<hbm>>, %arg3: memref<32x2x32xi32, #tpu.memory_space<hbm>>, %arg4: memref<32x2x32xi32, #tpu.memory_space<hbm>>, %arg5: memref<2048x1024xf32, #tpu.memory_space<hbm>>, %arg6: memref<2048x1024xf32, #tpu.memory_space<hbm>>, %arg7: memref<2x32xi32, #tpu.memory_space<vmem>>, %arg8: memref<2x32xi32, #tpu.memory_space<vmem>>, %arg9: memref<32x1024xf32, #tpu.memory_space<vmem>>, %arg10: memref<32x1024xf32, #tpu.memory_space<vmem>>, %arg11: memref<!tpu.dma_semaphore, #tpu.memory_space<semaphore_mem>>, %arg12: memref<!tpu.dma_semaphore, #tpu.memory_space<semaphore_mem>>) attributes {dimension_semantics = [#tpu.dimension_semantics<core_parallel>, #tpu.dimension_semantics<subcore_parallel>], iteration_bounds = array<i64: 2, 16>, scalar_prefetch = 0 : i64, scratch_operands = 6 : i64, tpu.core_type = #tpu.core_type<sc_vector_subcore>, window_params = [{transform_indices = #map}, {transform_indices = #map1}, {transform_indices = #map1}, {transform_indices = #map}, {transform_indices = #map}]} {
    %mul3A = arith.constant 2 : i32
    %mul3A_0 = arith.muli %arg1, %mul3A : i32
    %add3A = arith.addi %mul3A_0, %arg0 : i32
    %mul3A_1 = arith.constant 64 : i32
    %mul3A_2 = arith.muli %add3A, %mul3A_1 : i32
    "tpu.region"() ({
      %run_scoped3A = tpu.sem_alloc : memref<!tpu.dma_semaphore, #tpu.memory_space<semaphore_mem>>
      %dma_start3A_65 = arith.constant 0 : i32
      %dma_start3A_66 = arith.constant 0 : i32
      %dma_start3A_67 = tpu.memref_slice %arg3[%add3A, %dma_start3A_65, %dma_start3A_66] : memref<32x2x32xi32, #tpu.memory_space<hbm>> -> memref<1x2x32xi32, #tpu.memory_space<hbm>>
      %dma_start3A_68 = tpu.memref_squeeze %dma_start3A_67 : memref<1x2x32xi32, #tpu.memory_space<hbm>> -> memref<2x32xi32, #tpu.memory_space<hbm>>
      %dma_start3A_69 = arith.constant 0 : i32
      %dma_start3A_70 = arith.constant 0 : i32
      %dma_start3A_71 = tpu.memref_slice %arg3[%add3A, %dma_start3A_69, %dma_start3A_70] : memref<32x2x32xi32, #tpu.memory_space<hbm>> -> memref<1x2x32xi32, #tpu.memory_space<hbm>>
      %dma_start3A_72 = tpu.memref_squeeze %dma_start3A_71 : memref<1x2x32xi32, #tpu.memory_space<hbm>> -> memref<2x32xi32, #tpu.memory_space<hbm>>
      tpu.enqueue_dma source(%dma_start3A_72 : memref<2x32xi32, #tpu.memory_space<hbm>>) target(%arg7 : memref<2x32xi32, #tpu.memory_space<vmem>>) target_semaphore(%run_scoped3A : memref<!tpu.dma_semaphore, #tpu.memory_space<semaphore_mem>>)
      %dma_wait3A_73 = arith.constant 0 : i32
      %dma_wait3A_74 = arith.constant 0 : i32
      %dma_wait3A_75 = tpu.memref_slice %arg3[%add3A, %dma_wait3A_73, %dma_wait3A_74] : memref<32x2x32xi32, #tpu.memory_space<hbm>> -> memref<1x2x32xi32, #tpu.memory_space<hbm>>
      %dma_wait3A_76 = tpu.memref_squeeze %dma_wait3A_75 : memref<1x2x32xi32, #tpu.memory_space<hbm>> -> memref<2x32xi32, #tpu.memory_space<hbm>>
      %dma_wait3A_77 = arith.constant 0 : i32
      %dma_wait3A_78 = arith.constant 0 : i32
      %dma_wait3A_79 = tpu.memref_slice %arg3[%add3A, %dma_wait3A_77, %dma_wait3A_78] : memref<32x2x32xi32, #tpu.memory_space<hbm>> -> memref<1x2x32xi32, #tpu.memory_space<hbm>>
      %dma_wait3A_80 = tpu.memref_squeeze %dma_wait3A_79 : memref<1x2x32xi32, #tpu.memory_space<hbm>> -> memref<2x32xi32, #tpu.memory_space<hbm>>
      tpu.wait_dma2 semaphore(%run_scoped3A : memref<!tpu.dma_semaphore, #tpu.memory_space<semaphore_mem>>) src(%dma_wait3A_80 : memref<2x32xi32, #tpu.memory_space<hbm>>) dst(%arg7 : memref<2x32xi32, #tpu.memory_space<vmem>>)
      tpu.yield
    }) : () -> ()
    "tpu.region"() ({
      %run_scoped3A = tpu.sem_alloc : memref<!tpu.dma_semaphore, #tpu.memory_space<semaphore_mem>>
      %dma_start3A_65 = arith.constant 0 : i32
      %dma_start3A_66 = arith.constant 0 : i32
      %dma_start3A_67 = tpu.memref_slice %arg4[%add3A, %dma_start3A_65, %dma_start3A_66] : memref<32x2x32xi32, #tpu.memory_space<hbm>> -> memref<1x2x32xi32, #tpu.memory_space<hbm>>
      %dma_start3A_68 = tpu.memref_squeeze %dma_start3A_67 : memref<1x2x32xi32, #tpu.memory_space<hbm>> -> memref<2x32xi32, #tpu.memory_space<hbm>>
      %dma_start3A_69 = arith.constant 0 : i32
      %dma_start3A_70 = arith.constant 0 : i32
      %dma_start3A_71 = tpu.memref_slice %arg4[%add3A, %dma_start3A_69, %dma_start3A_70] : memref<32x2x32xi32, #tpu.memory_space<hbm>> -> memref<1x2x32xi32, #tpu.memory_space<hbm>>
      %dma_start3A_72 = tpu.memref_squeeze %dma_start3A_71 : memref<1x2x32xi32, #tpu.memory_space<hbm>> -> memref<2x32xi32, #tpu.memory_space<hbm>>
      tpu.enqueue_dma source(%dma_start3A_72 : memref<2x32xi32, #tpu.memory_space<hbm>>) target(%arg8 : memref<2x32xi32, #tpu.memory_space<vmem>>) target_semaphore(%run_scoped3A : memref<!tpu.dma_semaphore, #tpu.memory_space<semaphore_mem>>)
      %dma_wait3A_73 = arith.constant 0 : i32
      %dma_wait3A_74 = arith.constant 0 : i32
      %dma_wait3A_75 = tpu.memref_slice %arg4[%add3A, %dma_wait3A_73, %dma_wait3A_74] : memref<32x2x32xi32, #tpu.memory_space<hbm>> -> memref<1x2x32xi32, #tpu.memory_space<hbm>>
      %dma_wait3A_76 = tpu.memref_squeeze %dma_wait3A_75 : memref<1x2x32xi32, #tpu.memory_space<hbm>> -> memref<2x32xi32, #tpu.memory_space<hbm>>
      %dma_wait3A_77 = arith.constant 0 : i32
      %dma_wait3A_78 = arith.constant 0 : i32
      %dma_wait3A_79 = tpu.memref_slice %arg4[%add3A, %dma_wait3A_77, %dma_wait3A_78] : memref<32x2x32xi32, #tpu.memory_space<hbm>> -> memref<1x2x32xi32, #tpu.memory_space<hbm>>
      %dma_wait3A_80 = tpu.memref_squeeze %dma_wait3A_79 : memref<1x2x32xi32, #tpu.memory_space<hbm>> -> memref<2x32xi32, #tpu.memory_space<hbm>>
      tpu.wait_dma2 semaphore(%run_scoped3A : memref<!tpu.dma_semaphore, #tpu.memory_space<semaphore_mem>>) src(%dma_wait3A_80 : memref<2x32xi32, #tpu.memory_space<hbm>>) dst(%arg8 : memref<2x32xi32, #tpu.memory_space<vmem>>)
      tpu.yield
    }) : () -> ()
    %dma_start3A = arith.constant 0 : i32
    %dma_start3A_3 = arith.constant 0 : i32
    %dma_start3A_4 = tpu.memref_slice %arg7[%dma_start3A, %dma_start3A_3] : memref<2x32xi32, #tpu.memory_space<vmem>> -> memref<1x32xi32, #tpu.memory_space<vmem>>
    %dma_start3A_5 = tpu.memref_squeeze %dma_start3A_4 : memref<1x32xi32, #tpu.memory_space<vmem>> -> memref<32xi32, #tpu.memory_space<vmem>>
    %dma_start3A_6 = arith.constant 0 : i32
    %dma_start3A_7 = arith.constant 0 : i32
    %dma_start3A_8 = tpu.memref_slice %arg2[%dma_start3A_6, %dma_start3A_7] : memref<6144x1024xf32, #tpu.memory_space<hbm>> -> memref<6144x1024xf32, #tpu.memory_space<hbm>>
    tpu.enqueue_indirect_dma source(%dma_start3A_8 : memref<6144x1024xf32, #tpu.memory_space<hbm>>) target(%arg9 : memref<32x1024xf32, #tpu.memory_space<vmem>>) offsets(%dma_start3A_5 : memref<32xi32, #tpu.memory_space<vmem>>) semaphore(%arg11 : memref<!tpu.dma_semaphore, #tpu.memory_space<semaphore_mem>>)
    %dma_start3A_9 = arith.constant 0 : i32
    %dma_start3A_10 = arith.constant 0 : i32
    %dma_start3A_11 = tpu.memref_slice %arg8[%dma_start3A_9, %dma_start3A_10] : memref<2x32xi32, #tpu.memory_space<vmem>> -> memref<1x32xi32, #tpu.memory_space<vmem>>
    %dma_start3A_12 = tpu.memref_squeeze %dma_start3A_11 : memref<1x32xi32, #tpu.memory_space<vmem>> -> memref<32xi32, #tpu.memory_space<vmem>>
    %dma_start3A_13 = arith.constant 0 : i32
    %dma_start3A_14 = arith.constant 0 : i32
    %dma_start3A_15 = tpu.memref_slice %arg2[%dma_start3A_13, %dma_start3A_14] : memref<6144x1024xf32, #tpu.memory_space<hbm>> -> memref<6144x1024xf32, #tpu.memory_space<hbm>>
    tpu.enqueue_indirect_dma source(%dma_start3A_15 : memref<6144x1024xf32, #tpu.memory_space<hbm>>) target(%arg10 : memref<32x1024xf32, #tpu.memory_space<vmem>>) offsets(%dma_start3A_12 : memref<32xi32, #tpu.memory_space<vmem>>) semaphore(%arg12 : memref<!tpu.dma_semaphore, #tpu.memory_space<semaphore_mem>>)
    %dma_wait3A = arith.constant 0 : i32
    %dma_wait3A_16 = arith.constant 0 : i32
    %dma_wait3A_17 = tpu.memref_slice %arg7[%dma_wait3A, %dma_wait3A_16] : memref<2x32xi32, #tpu.memory_space<vmem>> -> memref<1x32xi32, #tpu.memory_space<vmem>>
    %dma_wait3A_18 = tpu.memref_squeeze %dma_wait3A_17 : memref<1x32xi32, #tpu.memory_space<vmem>> -> memref<32xi32, #tpu.memory_space<vmem>>
    %dma_wait3A_19 = arith.constant 0 : i32
    %dma_wait3A_20 = arith.constant 0 : i32
    %dma_wait3A_21 = tpu.memref_slice %arg2[%dma_wait3A_19, %dma_wait3A_20] : memref<6144x1024xf32, #tpu.memory_space<hbm>> -> memref<6144x1024xf32, #tpu.memory_space<hbm>>
    tpu.wait_indirect_dma semaphore(%arg11 : memref<!tpu.dma_semaphore, #tpu.memory_space<semaphore_mem>>) src(%dma_wait3A_21 : memref<6144x1024xf32, #tpu.memory_space<hbm>>) dst(%arg9 : memref<32x1024xf32, #tpu.memory_space<vmem>>)
    %dma_wait3A_22 = arith.constant 0 : i32
    %dma_wait3A_23 = arith.constant 0 : i32
    %dma_wait3A_24 = tpu.memref_slice %arg8[%dma_wait3A_22, %dma_wait3A_23] : memref<2x32xi32, #tpu.memory_space<vmem>> -> memref<1x32xi32, #tpu.memory_space<vmem>>
    %dma_wait3A_25 = tpu.memref_squeeze %dma_wait3A_24 : memref<1x32xi32, #tpu.memory_space<vmem>> -> memref<32xi32, #tpu.memory_space<vmem>>
    %dma_wait3A_26 = arith.constant 0 : i32
    %dma_wait3A_27 = arith.constant 0 : i32
    %dma_wait3A_28 = tpu.memref_slice %arg2[%dma_wait3A_26, %dma_wait3A_27] : memref<6144x1024xf32, #tpu.memory_space<hbm>> -> memref<6144x1024xf32, #tpu.memory_space<hbm>>
    tpu.wait_indirect_dma semaphore(%arg12 : memref<!tpu.dma_semaphore, #tpu.memory_space<semaphore_mem>>) src(%dma_wait3A_28 : memref<6144x1024xf32, #tpu.memory_space<hbm>>) dst(%arg10 : memref<32x1024xf32, #tpu.memory_space<vmem>>)
    %add3A_29 = arith.constant 0 : i32
    %add3A_30 = arith.addi %mul3A_2, %add3A_29 : i32
    "tpu.region"() ({
      %run_scoped3A = tpu.sem_alloc : memref<!tpu.dma_semaphore, #tpu.memory_space<semaphore_mem>>
      %dma_start3A_65 = arith.constant 0 : i32
      %dma_start3A_66 = tpu.memref_slice %arg5[%add3A_30, %dma_start3A_65] : memref<2048x1024xf32, #tpu.memory_space<hbm>> -> memref<32x1024xf32, #tpu.memory_space<hbm>>
      %dma_start3A_67 = arith.constant 0 : i32
      %dma_start3A_68 = tpu.memref_slice %arg5[%add3A_30, %dma_start3A_67] : memref<2048x1024xf32, #tpu.memory_space<hbm>> -> memref<32x1024xf32, #tpu.memory_space<hbm>>
      tpu.enqueue_dma source(%arg9 : memref<32x1024xf32, #tpu.memory_space<vmem>>) target(%dma_start3A_68 : memref<32x1024xf32, #tpu.memory_space<hbm>>) target_semaphore(%run_scoped3A : memref<!tpu.dma_semaphore, #tpu.memory_space<semaphore_mem>>)
      %dma_wait3A_69 = arith.constant 0 : i32
      %dma_wait3A_70 = tpu.memref_slice %arg5[%add3A_30, %dma_wait3A_69] : memref<2048x1024xf32, #tpu.memory_space<hbm>> -> memref<32x1024xf32, #tpu.memory_space<hbm>>
      %dma_wait3A_71 = arith.constant 0 : i32
      %dma_wait3A_72 = tpu.memref_slice %arg5[%add3A_30, %dma_wait3A_71] : memref<2048x1024xf32, #tpu.memory_space<hbm>> -> memref<32x1024xf32, #tpu.memory_space<hbm>>
      tpu.wait_dma2 semaphore(%run_scoped3A : memref<!tpu.dma_semaphore, #tpu.memory_space<semaphore_mem>>) src(%arg9 : memref<32x1024xf32, #tpu.memory_space<vmem>>) dst(%dma_wait3A_72 : memref<32x1024xf32, #tpu.memory_space<hbm>>)
      tpu.yield
    }) : () -> ()
    %add3A_31 = arith.constant 0 : i32
    %add3A_32 = arith.addi %mul3A_2, %add3A_31 : i32
    "tpu.region"() ({
      %run_scoped3A = tpu.sem_alloc : memref<!tpu.dma_semaphore, #tpu.memory_space<semaphore_mem>>
      %dma_start3A_65 = arith.constant 0 : i32
      %dma_start3A_66 = tpu.memref_slice %arg6[%add3A_32, %dma_start3A_65] : memref<2048x1024xf32, #tpu.memory_space<hbm>> -> memref<32x1024xf32, #tpu.memory_space<hbm>>
      %dma_start3A_67 = arith.constant 0 : i32
      %dma_start3A_68 = tpu.memref_slice %arg6[%add3A_32, %dma_start3A_67] : memref<2048x1024xf32, #tpu.memory_space<hbm>> -> memref<32x1024xf32, #tpu.memory_space<hbm>>
      tpu.enqueue_dma source(%arg10 : memref<32x1024xf32, #tpu.memory_space<vmem>>) target(%dma_start3A_68 : memref<32x1024xf32, #tpu.memory_space<hbm>>) target_semaphore(%run_scoped3A : memref<!tpu.dma_semaphore, #tpu.memory_space<semaphore_mem>>)
      %dma_wait3A_69 = arith.constant 0 : i32
      %dma_wait3A_70 = tpu.memref_slice %arg6[%add3A_32, %dma_wait3A_69] : memref<2048x1024xf32, #tpu.memory_space<hbm>> -> memref<32x1024xf32, #tpu.memory_space<hbm>>
      %dma_wait3A_71 = arith.constant 0 : i32
      %dma_wait3A_72 = tpu.memref_slice %arg6[%add3A_32, %dma_wait3A_71] : memref<2048x1024xf32, #tpu.memory_space<hbm>> -> memref<32x1024xf32, #tpu.memory_space<hbm>>
      tpu.wait_dma2 semaphore(%run_scoped3A : memref<!tpu.dma_semaphore, #tpu.memory_space<semaphore_mem>>) src(%arg10 : memref<32x1024xf32, #tpu.memory_space<vmem>>) dst(%dma_wait3A_72 : memref<32x1024xf32, #tpu.memory_space<hbm>>)
      tpu.yield
    }) : () -> ()
    %dma_start3A_33 = arith.constant 1 : i32
    %dma_start3A_34 = arith.constant 0 : i32
    %dma_start3A_35 = tpu.memref_slice %arg7[%dma_start3A_33, %dma_start3A_34] : memref<2x32xi32, #tpu.memory_space<vmem>> -> memref<1x32xi32, #tpu.memory_space<vmem>>
    %dma_start3A_36 = tpu.memref_squeeze %dma_start3A_35 : memref<1x32xi32, #tpu.memory_space<vmem>> -> memref<32xi32, #tpu.memory_space<vmem>>
    %dma_start3A_37 = arith.constant 0 : i32
    %dma_start3A_38 = arith.constant 0 : i32
    %dma_start3A_39 = tpu.memref_slice %arg2[%dma_start3A_37, %dma_start3A_38] : memref<6144x1024xf32, #tpu.memory_space<hbm>> -> memref<6144x1024xf32, #tpu.memory_space<hbm>>
    tpu.enqueue_indirect_dma source(%dma_start3A_39 : memref<6144x1024xf32, #tpu.memory_space<hbm>>) target(%arg9 : memref<32x1024xf32, #tpu.memory_space<vmem>>) offsets(%dma_start3A_36 : memref<32xi32, #tpu.memory_space<vmem>>) semaphore(%arg11 : memref<!tpu.dma_semaphore, #tpu.memory_space<semaphore_mem>>)
    %dma_start3A_40 = arith.constant 1 : i32
    %dma_start3A_41 = arith.constant 0 : i32
    %dma_start3A_42 = tpu.memref_slice %arg8[%dma_start3A_40, %dma_start3A_41] : memref<2x32xi32, #tpu.memory_space<vmem>> -> memref<1x32xi32, #tpu.memory_space<vmem>>
    %dma_start3A_43 = tpu.memref_squeeze %dma_start3A_42 : memref<1x32xi32, #tpu.memory_space<vmem>> -> memref<32xi32, #tpu.memory_space<vmem>>
    %dma_start3A_44 = arith.constant 0 : i32
    %dma_start3A_45 = arith.constant 0 : i32
    %dma_start3A_46 = tpu.memref_slice %arg2[%dma_start3A_44, %dma_start3A_45] : memref<6144x1024xf32, #tpu.memory_space<hbm>> -> memref<6144x1024xf32, #tpu.memory_space<hbm>>
    tpu.enqueue_indirect_dma source(%dma_start3A_46 : memref<6144x1024xf32, #tpu.memory_space<hbm>>) target(%arg10 : memref<32x1024xf32, #tpu.memory_space<vmem>>) offsets(%dma_start3A_43 : memref<32xi32, #tpu.memory_space<vmem>>) semaphore(%arg12 : memref<!tpu.dma_semaphore, #tpu.memory_space<semaphore_mem>>)
    %dma_wait3A_47 = arith.constant 1 : i32
    %dma_wait3A_48 = arith.constant 0 : i32
    %dma_wait3A_49 = tpu.memref_slice %arg7[%dma_wait3A_47, %dma_wait3A_48] : memref<2x32xi32, #tpu.memory_space<vmem>> -> memref<1x32xi32, #tpu.memory_space<vmem>>
    %dma_wait3A_50 = tpu.memref_squeeze %dma_wait3A_49 : memref<1x32xi32, #tpu.memory_space<vmem>> -> memref<32xi32, #tpu.memory_space<vmem>>
    %dma_wait3A_51 = arith.constant 0 : i32
    %dma_wait3A_52 = arith.constant 0 : i32
    %dma_wait3A_53 = tpu.memref_slice %arg2[%dma_wait3A_51, %dma_wait3A_52] : memref<6144x1024xf32, #tpu.memory_space<hbm>> -> memref<6144x1024xf32, #tpu.memory_space<hbm>>
    tpu.wait_indirect_dma semaphore(%arg11 : memref<!tpu.dma_semaphore, #tpu.memory_space<semaphore_mem>>) src(%dma_wait3A_53 : memref<6144x1024xf32, #tpu.memory_space<hbm>>) dst(%arg9 : memref<32x1024xf32, #tpu.memory_space<vmem>>)
    %dma_wait3A_54 = arith.constant 1 : i32
    %dma_wait3A_55 = arith.constant 0 : i32
    %dma_wait3A_56 = tpu.memref_slice %arg8[%dma_wait3A_54, %dma_wait3A_55] : memref<2x32xi32, #tpu.memory_space<vmem>> -> memref<1x32xi32, #tpu.memory_space<vmem>>
    %dma_wait3A_57 = tpu.memref_squeeze %dma_wait3A_56 : memref<1x32xi32, #tpu.memory_space<vmem>> -> memref<32xi32, #tpu.memory_space<vmem>>
    %dma_wait3A_58 = arith.constant 0 : i32
    %dma_wait3A_59 = arith.constant 0 : i32
    %dma_wait3A_60 = tpu.memref_slice %arg2[%dma_wait3A_58, %dma_wait3A_59] : memref<6144x1024xf32, #tpu.memory_space<hbm>> -> memref<6144x1024xf32, #tpu.memory_space<hbm>>
    tpu.wait_indirect_dma semaphore(%arg12 : memref<!tpu.dma_semaphore, #tpu.memory_space<semaphore_mem>>) src(%dma_wait3A_60 : memref<6144x1024xf32, #tpu.memory_space<hbm>>) dst(%arg10 : memref<32x1024xf32, #tpu.memory_space<vmem>>)
    %add3A_61 = arith.constant 32 : i32
    %add3A_62 = arith.addi %mul3A_2, %add3A_61 : i32
    "tpu.region"() ({
      %run_scoped3A = tpu.sem_alloc : memref<!tpu.dma_semaphore, #tpu.memory_space<semaphore_mem>>
      %dma_start3A_65 = arith.constant 0 : i32
      %dma_start3A_66 = tpu.memref_slice %arg5[%add3A_62, %dma_start3A_65] : memref<2048x1024xf32, #tpu.memory_space<hbm>> -> memref<32x1024xf32, #tpu.memory_space<hbm>>
      %dma_start3A_67 = arith.constant 0 : i32
      %dma_start3A_68 = tpu.memref_slice %arg5[%add3A_62, %dma_start3A_67] : memref<2048x1024xf32, #tpu.memory_space<hbm>> -> memref<32x1024xf32, #tpu.memory_space<hbm>>
      tpu.enqueue_dma source(%arg9 : memref<32x1024xf32, #tpu.memory_space<vmem>>) target(%dma_start3A_68 : memref<32x1024xf32, #tpu.memory_space<hbm>>) target_semaphore(%run_scoped3A : memref<!tpu.dma_semaphore, #tpu.memory_space<semaphore_mem>>)
      %dma_wait3A_69 = arith.constant 0 : i32
      %dma_wait3A_70 = tpu.memref_slice %arg5[%add3A_62, %dma_wait3A_69] : memref<2048x1024xf32, #tpu.memory_space<hbm>> -> memref<32x1024xf32, #tpu.memory_space<hbm>>
      %dma_wait3A_71 = arith.constant 0 : i32
      %dma_wait3A_72 = tpu.memref_slice %arg5[%add3A_62, %dma_wait3A_71] : memref<2048x1024xf32, #tpu.memory_space<hbm>> -> memref<32x1024xf32, #tpu.memory_space<hbm>>
      tpu.wait_dma2 semaphore(%run_scoped3A : memref<!tpu.dma_semaphore, #tpu.memory_space<semaphore_mem>>) src(%arg9 : memref<32x1024xf32, #tpu.memory_space<vmem>>) dst(%dma_wait3A_72 : memref<32x1024xf32, #tpu.memory_space<hbm>>)
      tpu.yield
    }) : () -> ()
    %add3A_63 = arith.constant 32 : i32
    %add3A_64 = arith.addi %mul3A_2, %add3A_63 : i32
    "tpu.region"() ({
      %run_scoped3A = tpu.sem_alloc : memref<!tpu.dma_semaphore, #tpu.memory_space<semaphore_mem>>
      %dma_start3A_65 = arith.constant 0 : i32
      %dma_start3A_66 = tpu.memref_slice %arg6[%add3A_64, %dma_start3A_65] : memref<2048x1024xf32, #tpu.memory_space<hbm>> -> memref<32x1024xf32, #tpu.memory_space<hbm>>
      %dma_start3A_67 = arith.constant 0 : i32
      %dma_start3A_68 = tpu.memref_slice %arg6[%add3A_64, %dma_start3A_67] : memref<2048x1024xf32, #tpu.memory_space<hbm>> -> memref<32x1024xf32, #tpu.memory_space<hbm>>
      tpu.enqueue_dma source(%arg10 : memref<32x1024xf32, #tpu.memory_space<vmem>>) target(%dma_start3A_68 : memref<32x1024xf32, #tpu.memory_space<hbm>>) target_semaphore(%run_scoped3A : memref<!tpu.dma_semaphore, #tpu.memory_space<semaphore_mem>>)
      %dma_wait3A_69 = arith.constant 0 : i32
      %dma_wait3A_70 = tpu.memref_slice %arg6[%add3A_64, %dma_wait3A_69] : memref<2048x1024xf32, #tpu.memory_space<hbm>> -> memref<32x1024xf32, #tpu.memory_space<hbm>>
      %dma_wait3A_71 = arith.constant 0 : i32
      %dma_wait3A_72 = tpu.memref_slice %arg6[%add3A_64, %dma_wait3A_71] : memref<2048x1024xf32, #tpu.memory_space<hbm>> -> memref<32x1024xf32, #tpu.memory_space<hbm>>
      tpu.wait_dma2 semaphore(%run_scoped3A : memref<!tpu.dma_semaphore, #tpu.memory_space<semaphore_mem>>) src(%arg10 : memref<32x1024xf32, #tpu.memory_space<vmem>>) dst(%dma_wait3A_72 : memref<32x1024xf32, #tpu.memory_space<hbm>>)
      tpu.yield
    }) : () -> ()
    return
  }
}

#map = affine_map<(d0, d1) -> (0, 0)>
#map1 = affine_map<(d0, d1) -> (0, 0, 0)>
module attributes {stable_mosaic.version = 14 : i64} {
  func.func @dispatch(%arg0: i32, %arg1: i32, %arg2: memref<2048x1024xf32, #tpu.memory_space<hbm>>, %arg3: memref<32x4x32xi32, #tpu.memory_space<hbm>>, %arg4: memref<6144x1024xf32, #tpu.memory_space<hbm>>, %arg5: memref<4x32xi32, #tpu.memory_space<vmem>>, %arg6: memref<32x1024xf32, #tpu.memory_space<vmem>>, %arg7: memref<32x1024xf32, #tpu.memory_space<vmem>>, %arg8: memref<!tpu.dma_semaphore, #tpu.memory_space<semaphore_mem>>, %arg9: memref<!tpu.dma_semaphore, #tpu.memory_space<semaphore_mem>>) attributes {dimension_semantics = [#tpu.dimension_semantics<core_parallel>, #tpu.dimension_semantics<subcore_parallel>], iteration_bounds = array<i64: 2, 16>, scalar_prefetch = 0 : i64, scratch_operands = 5 : i64, tpu.core_type = #tpu.core_type<sc_vector_subcore>, window_params = [{transform_indices = #map}, {transform_indices = #map1}, {transform_indices = #map}]} {
    %mul3A = arith.constant 2 : i32
    %mul3A_0 = arith.muli %arg1, %mul3A : i32
    %add3A = arith.addi %mul3A_0, %arg0 : i32
    %jit3A = arith.constant 16 : i32
    %eq3A = arith.constant 0 : i32
    %eq3A_1 = arith.cmpi eq, %jit3A, %eq3A : i32
    %jit3A_2 = arith.constant 1 : i32
    %select_n3A = arith.select %eq3A_1, %jit3A_2, %jit3A : i32
    %rem3A = arith.remsi %add3A, %select_n3A : i32
    %ne3A = arith.constant 0 : i32
    %ne3A_3 = arith.cmpi ne, %rem3A, %ne3A : i32
    %lt3A = arith.constant 0 : i32
    %lt3A_4 = arith.cmpi slt, %rem3A, %lt3A : i32
    %lt3A_5 = arith.constant 0 : i32
    %lt3A_6 = arith.cmpi slt, %select_n3A, %lt3A_5 : i32
    %ne3A_7 = arith.xori %lt3A_4, %lt3A_6 : i1
    %and3A = arith.andi %ne3A_7, %ne3A_3 : i1
    %add3A_8 = arith.addi %rem3A, %select_n3A : i32
    %select_n3A_9 = arith.select %and3A, %add3A_8, %rem3A : i32
    %mul3A_10 = arith.constant 128 : i32
    %mul3A_11 = arith.muli %select_n3A_9, %mul3A_10 : i32
    "tpu.region"() ({
      %run_scoped3A = tpu.sem_alloc : memref<!tpu.dma_semaphore, #tpu.memory_space<semaphore_mem>>
      %dma_start3A_74 = arith.constant 0 : i32
      %dma_start3A_75 = arith.constant 0 : i32
      %dma_start3A_76 = tpu.memref_slice %arg3[%add3A, %dma_start3A_74, %dma_start3A_75] : memref<32x4x32xi32, #tpu.memory_space<hbm>> -> memref<1x4x32xi32, #tpu.memory_space<hbm>>
      %dma_start3A_77 = tpu.memref_squeeze %dma_start3A_76 : memref<1x4x32xi32, #tpu.memory_space<hbm>> -> memref<4x32xi32, #tpu.memory_space<hbm>>
      %dma_start3A_78 = arith.constant 0 : i32
      %dma_start3A_79 = arith.constant 0 : i32
      %dma_start3A_80 = tpu.memref_slice %arg3[%add3A, %dma_start3A_78, %dma_start3A_79] : memref<32x4x32xi32, #tpu.memory_space<hbm>> -> memref<1x4x32xi32, #tpu.memory_space<hbm>>
      %dma_start3A_81 = tpu.memref_squeeze %dma_start3A_80 : memref<1x4x32xi32, #tpu.memory_space<hbm>> -> memref<4x32xi32, #tpu.memory_space<hbm>>
      tpu.enqueue_dma source(%dma_start3A_81 : memref<4x32xi32, #tpu.memory_space<hbm>>) target(%arg5 : memref<4x32xi32, #tpu.memory_space<vmem>>) target_semaphore(%run_scoped3A : memref<!tpu.dma_semaphore, #tpu.memory_space<semaphore_mem>>)
      %dma_wait3A_82 = arith.constant 0 : i32
      %dma_wait3A_83 = arith.constant 0 : i32
      %dma_wait3A_84 = tpu.memref_slice %arg3[%add3A, %dma_wait3A_82, %dma_wait3A_83] : memref<32x4x32xi32, #tpu.memory_space<hbm>> -> memref<1x4x32xi32, #tpu.memory_space<hbm>>
      %dma_wait3A_85 = tpu.memref_squeeze %dma_wait3A_84 : memref<1x4x32xi32, #tpu.memory_space<hbm>> -> memref<4x32xi32, #tpu.memory_space<hbm>>
      %dma_wait3A_86 = arith.constant 0 : i32
      %dma_wait3A_87 = arith.constant 0 : i32
      %dma_wait3A_88 = tpu.memref_slice %arg3[%add3A, %dma_wait3A_86, %dma_wait3A_87] : memref<32x4x32xi32, #tpu.memory_space<hbm>> -> memref<1x4x32xi32, #tpu.memory_space<hbm>>
      %dma_wait3A_89 = tpu.memref_squeeze %dma_wait3A_88 : memref<1x4x32xi32, #tpu.memory_space<hbm>> -> memref<4x32xi32, #tpu.memory_space<hbm>>
      tpu.wait_dma2 semaphore(%run_scoped3A : memref<!tpu.dma_semaphore, #tpu.memory_space<semaphore_mem>>) src(%dma_wait3A_89 : memref<4x32xi32, #tpu.memory_space<hbm>>) dst(%arg5 : memref<4x32xi32, #tpu.memory_space<vmem>>)
      tpu.yield
    }) : () -> ()
    %add3A_12 = arith.constant 0 : i32
    %add3A_13 = arith.addi %mul3A_11, %add3A_12 : i32
    "tpu.region"() ({
      %run_scoped3A = tpu.sem_alloc : memref<!tpu.dma_semaphore, #tpu.memory_space<semaphore_mem>>
      %dma_start3A_74 = arith.constant 0 : i32
      %dma_start3A_75 = tpu.memref_slice %arg2[%add3A_13, %dma_start3A_74] : memref<2048x1024xf32, #tpu.memory_space<hbm>> -> memref<32x1024xf32, #tpu.memory_space<hbm>>
      %dma_start3A_76 = arith.constant 0 : i32
      %dma_start3A_77 = tpu.memref_slice %arg2[%add3A_13, %dma_start3A_76] : memref<2048x1024xf32, #tpu.memory_space<hbm>> -> memref<32x1024xf32, #tpu.memory_space<hbm>>
      tpu.enqueue_dma source(%dma_start3A_77 : memref<32x1024xf32, #tpu.memory_space<hbm>>) target(%arg6 : memref<32x1024xf32, #tpu.memory_space<vmem>>) target_semaphore(%run_scoped3A : memref<!tpu.dma_semaphore, #tpu.memory_space<semaphore_mem>>)
      %dma_wait3A_78 = arith.constant 0 : i32
      %dma_wait3A_79 = tpu.memref_slice %arg2[%add3A_13, %dma_wait3A_78] : memref<2048x1024xf32, #tpu.memory_space<hbm>> -> memref<32x1024xf32, #tpu.memory_space<hbm>>
      %dma_wait3A_80 = arith.constant 0 : i32
      %dma_wait3A_81 = tpu.memref_slice %arg2[%add3A_13, %dma_wait3A_80] : memref<2048x1024xf32, #tpu.memory_space<hbm>> -> memref<32x1024xf32, #tpu.memory_space<hbm>>
      tpu.wait_dma2 semaphore(%run_scoped3A : memref<!tpu.dma_semaphore, #tpu.memory_space<semaphore_mem>>) src(%dma_wait3A_81 : memref<32x1024xf32, #tpu.memory_space<hbm>>) dst(%arg6 : memref<32x1024xf32, #tpu.memory_space<vmem>>)
      tpu.yield
    }) : () -> ()
    %dma_start3A = arith.constant 0 : i32
    %dma_start3A_14 = arith.constant 0 : i32
    %dma_start3A_15 = tpu.memref_slice %arg5[%dma_start3A, %dma_start3A_14] : memref<4x32xi32, #tpu.memory_space<vmem>> -> memref<1x32xi32, #tpu.memory_space<vmem>>
    %dma_start3A_16 = tpu.memref_squeeze %dma_start3A_15 : memref<1x32xi32, #tpu.memory_space<vmem>> -> memref<32xi32, #tpu.memory_space<vmem>>
    %dma_start3A_17 = arith.constant 0 : i32
    %dma_start3A_18 = arith.constant 0 : i32
    %dma_start3A_19 = tpu.memref_slice %arg4[%dma_start3A_17, %dma_start3A_18] : memref<6144x1024xf32, #tpu.memory_space<hbm>> -> memref<6144x1024xf32, #tpu.memory_space<hbm>>
    tpu.enqueue_indirect_dma source(%arg6 : memref<32x1024xf32, #tpu.memory_space<vmem>>) target(%dma_start3A_19 : memref<6144x1024xf32, #tpu.memory_space<hbm>>) offsets(%dma_start3A_16 : memref<32xi32, #tpu.memory_space<vmem>>) semaphore(%arg8 : memref<!tpu.dma_semaphore, #tpu.memory_space<semaphore_mem>>)
    %add3A_20 = arith.constant 32 : i32
    %add3A_21 = arith.addi %mul3A_11, %add3A_20 : i32
    "tpu.region"() ({
      %run_scoped3A = tpu.sem_alloc : memref<!tpu.dma_semaphore, #tpu.memory_space<semaphore_mem>>
      %dma_start3A_74 = arith.constant 0 : i32
      %dma_start3A_75 = tpu.memref_slice %arg2[%add3A_21, %dma_start3A_74] : memref<2048x1024xf32, #tpu.memory_space<hbm>> -> memref<32x1024xf32, #tpu.memory_space<hbm>>
      %dma_start3A_76 = arith.constant 0 : i32
      %dma_start3A_77 = tpu.memref_slice %arg2[%add3A_21, %dma_start3A_76] : memref<2048x1024xf32, #tpu.memory_space<hbm>> -> memref<32x1024xf32, #tpu.memory_space<hbm>>
      tpu.enqueue_dma source(%dma_start3A_77 : memref<32x1024xf32, #tpu.memory_space<hbm>>) target(%arg7 : memref<32x1024xf32, #tpu.memory_space<vmem>>) target_semaphore(%run_scoped3A : memref<!tpu.dma_semaphore, #tpu.memory_space<semaphore_mem>>)
      %dma_wait3A_78 = arith.constant 0 : i32
      %dma_wait3A_79 = tpu.memref_slice %arg2[%add3A_21, %dma_wait3A_78] : memref<2048x1024xf32, #tpu.memory_space<hbm>> -> memref<32x1024xf32, #tpu.memory_space<hbm>>
      %dma_wait3A_80 = arith.constant 0 : i32
      %dma_wait3A_81 = tpu.memref_slice %arg2[%add3A_21, %dma_wait3A_80] : memref<2048x1024xf32, #tpu.memory_space<hbm>> -> memref<32x1024xf32, #tpu.memory_space<hbm>>
      tpu.wait_dma2 semaphore(%run_scoped3A : memref<!tpu.dma_semaphore, #tpu.memory_space<semaphore_mem>>) src(%dma_wait3A_81 : memref<32x1024xf32, #tpu.memory_space<hbm>>) dst(%arg7 : memref<32x1024xf32, #tpu.memory_space<vmem>>)
      tpu.yield
    }) : () -> ()
    %dma_start3A_22 = arith.constant 1 : i32
    %dma_start3A_23 = arith.constant 0 : i32
    %dma_start3A_24 = tpu.memref_slice %arg5[%dma_start3A_22, %dma_start3A_23] : memref<4x32xi32, #tpu.memory_space<vmem>> -> memref<1x32xi32, #tpu.memory_space<vmem>>
    %dma_start3A_25 = tpu.memref_squeeze %dma_start3A_24 : memref<1x32xi32, #tpu.memory_space<vmem>> -> memref<32xi32, #tpu.memory_space<vmem>>
    %dma_start3A_26 = arith.constant 0 : i32
    %dma_start3A_27 = arith.constant 0 : i32
    %dma_start3A_28 = tpu.memref_slice %arg4[%dma_start3A_26, %dma_start3A_27] : memref<6144x1024xf32, #tpu.memory_space<hbm>> -> memref<6144x1024xf32, #tpu.memory_space<hbm>>
    tpu.enqueue_indirect_dma source(%arg7 : memref<32x1024xf32, #tpu.memory_space<vmem>>) target(%dma_start3A_28 : memref<6144x1024xf32, #tpu.memory_space<hbm>>) offsets(%dma_start3A_25 : memref<32xi32, #tpu.memory_space<vmem>>) semaphore(%arg9 : memref<!tpu.dma_semaphore, #tpu.memory_space<semaphore_mem>>)
    %dma_wait3A = arith.constant 0 : i32
    %dma_wait3A_29 = arith.constant 0 : i32
    %dma_wait3A_30 = tpu.memref_slice %arg5[%dma_wait3A, %dma_wait3A_29] : memref<4x32xi32, #tpu.memory_space<vmem>> -> memref<1x32xi32, #tpu.memory_space<vmem>>
    %dma_wait3A_31 = tpu.memref_squeeze %dma_wait3A_30 : memref<1x32xi32, #tpu.memory_space<vmem>> -> memref<32xi32, #tpu.memory_space<vmem>>
    %dma_wait3A_32 = arith.constant 0 : i32
    %dma_wait3A_33 = arith.constant 0 : i32
    %dma_wait3A_34 = tpu.memref_slice %arg4[%dma_wait3A_32, %dma_wait3A_33] : memref<6144x1024xf32, #tpu.memory_space<hbm>> -> memref<6144x1024xf32, #tpu.memory_space<hbm>>
    tpu.wait_indirect_dma semaphore(%arg8 : memref<!tpu.dma_semaphore, #tpu.memory_space<semaphore_mem>>) src(%arg6 : memref<32x1024xf32, #tpu.memory_space<vmem>>) dst(%dma_wait3A_34 : memref<6144x1024xf32, #tpu.memory_space<hbm>>)
    %add3A_35 = arith.constant 64 : i32
    %add3A_36 = arith.addi %mul3A_11, %add3A_35 : i32
    "tpu.region"() ({
      %run_scoped3A = tpu.sem_alloc : memref<!tpu.dma_semaphore, #tpu.memory_space<semaphore_mem>>
      %dma_start3A_74 = arith.constant 0 : i32
      %dma_start3A_75 = tpu.memref_slice %arg2[%add3A_36, %dma_start3A_74] : memref<2048x1024xf32, #tpu.memory_space<hbm>> -> memref<32x1024xf32, #tpu.memory_space<hbm>>
      %dma_start3A_76 = arith.constant 0 : i32
      %dma_start3A_77 = tpu.memref_slice %arg2[%add3A_36, %dma_start3A_76] : memref<2048x1024xf32, #tpu.memory_space<hbm>> -> memref<32x1024xf32, #tpu.memory_space<hbm>>
      tpu.enqueue_dma source(%dma_start3A_77 : memref<32x1024xf32, #tpu.memory_space<hbm>>) target(%arg6 : memref<32x1024xf32, #tpu.memory_space<vmem>>) target_semaphore(%run_scoped3A : memref<!tpu.dma_semaphore, #tpu.memory_space<semaphore_mem>>)
      %dma_wait3A_78 = arith.constant 0 : i32
      %dma_wait3A_79 = tpu.memref_slice %arg2[%add3A_36, %dma_wait3A_78] : memref<2048x1024xf32, #tpu.memory_space<hbm>> -> memref<32x1024xf32, #tpu.memory_space<hbm>>
      %dma_wait3A_80 = arith.constant 0 : i32
      %dma_wait3A_81 = tpu.memref_slice %arg2[%add3A_36, %dma_wait3A_80] : memref<2048x1024xf32, #tpu.memory_space<hbm>> -> memref<32x1024xf32, #tpu.memory_space<hbm>>
      tpu.wait_dma2 semaphore(%run_scoped3A : memref<!tpu.dma_semaphore, #tpu.memory_space<semaphore_mem>>) src(%dma_wait3A_81 : memref<32x1024xf32, #tpu.memory_space<hbm>>) dst(%arg6 : memref<32x1024xf32, #tpu.memory_space<vmem>>)
      tpu.yield
    }) : () -> ()
    %dma_start3A_37 = arith.constant 2 : i32
    %dma_start3A_38 = arith.constant 0 : i32
    %dma_start3A_39 = tpu.memref_slice %arg5[%dma_start3A_37, %dma_start3A_38] : memref<4x32xi32, #tpu.memory_space<vmem>> -> memref<1x32xi32, #tpu.memory_space<vmem>>
    %dma_start3A_40 = tpu.memref_squeeze %dma_start3A_39 : memref<1x32xi32, #tpu.memory_space<vmem>> -> memref<32xi32, #tpu.memory_space<vmem>>
    %dma_start3A_41 = arith.constant 0 : i32
    %dma_start3A_42 = arith.constant 0 : i32
    %dma_start3A_43 = tpu.memref_slice %arg4[%dma_start3A_41, %dma_start3A_42] : memref<6144x1024xf32, #tpu.memory_space<hbm>> -> memref<6144x1024xf32, #tpu.memory_space<hbm>>
    tpu.enqueue_indirect_dma source(%arg6 : memref<32x1024xf32, #tpu.memory_space<vmem>>) target(%dma_start3A_43 : memref<6144x1024xf32, #tpu.memory_space<hbm>>) offsets(%dma_start3A_40 : memref<32xi32, #tpu.memory_space<vmem>>) semaphore(%arg8 : memref<!tpu.dma_semaphore, #tpu.memory_space<semaphore_mem>>)
    %dma_wait3A_44 = arith.constant 1 : i32
    %dma_wait3A_45 = arith.constant 0 : i32
    %dma_wait3A_46 = tpu.memref_slice %arg5[%dma_wait3A_44, %dma_wait3A_45] : memref<4x32xi32, #tpu.memory_space<vmem>> -> memref<1x32xi32, #tpu.memory_space<vmem>>
    %dma_wait3A_47 = tpu.memref_squeeze %dma_wait3A_46 : memref<1x32xi32, #tpu.memory_space<vmem>> -> memref<32xi32, #tpu.memory_space<vmem>>
    %dma_wait3A_48 = arith.constant 0 : i32
    %dma_wait3A_49 = arith.constant 0 : i32
    %dma_wait3A_50 = tpu.memref_slice %arg4[%dma_wait3A_48, %dma_wait3A_49] : memref<6144x1024xf32, #tpu.memory_space<hbm>> -> memref<6144x1024xf32, #tpu.memory_space<hbm>>
    tpu.wait_indirect_dma semaphore(%arg9 : memref<!tpu.dma_semaphore, #tpu.memory_space<semaphore_mem>>) src(%arg7 : memref<32x1024xf32, #tpu.memory_space<vmem>>) dst(%dma_wait3A_50 : memref<6144x1024xf32, #tpu.memory_space<hbm>>)
    %add3A_51 = arith.constant 96 : i32
    %add3A_52 = arith.addi %mul3A_11, %add3A_51 : i32
    "tpu.region"() ({
      %run_scoped3A = tpu.sem_alloc : memref<!tpu.dma_semaphore, #tpu.memory_space<semaphore_mem>>
      %dma_start3A_74 = arith.constant 0 : i32
      %dma_start3A_75 = tpu.memref_slice %arg2[%add3A_52, %dma_start3A_74] : memref<2048x1024xf32, #tpu.memory_space<hbm>> -> memref<32x1024xf32, #tpu.memory_space<hbm>>
      %dma_start3A_76 = arith.constant 0 : i32
      %dma_start3A_77 = tpu.memref_slice %arg2[%add3A_52, %dma_start3A_76] : memref<2048x1024xf32, #tpu.memory_space<hbm>> -> memref<32x1024xf32, #tpu.memory_space<hbm>>
      tpu.enqueue_dma source(%dma_start3A_77 : memref<32x1024xf32, #tpu.memory_space<hbm>>) target(%arg7 : memref<32x1024xf32, #tpu.memory_space<vmem>>) target_semaphore(%run_scoped3A : memref<!tpu.dma_semaphore, #tpu.memory_space<semaphore_mem>>)
      %dma_wait3A_78 = arith.constant 0 : i32
      %dma_wait3A_79 = tpu.memref_slice %arg2[%add3A_52, %dma_wait3A_78] : memref<2048x1024xf32, #tpu.memory_space<hbm>> -> memref<32x1024xf32, #tpu.memory_space<hbm>>
      %dma_wait3A_80 = arith.constant 0 : i32
      %dma_wait3A_81 = tpu.memref_slice %arg2[%add3A_52, %dma_wait3A_80] : memref<2048x1024xf32, #tpu.memory_space<hbm>> -> memref<32x1024xf32, #tpu.memory_space<hbm>>
      tpu.wait_dma2 semaphore(%run_scoped3A : memref<!tpu.dma_semaphore, #tpu.memory_space<semaphore_mem>>) src(%dma_wait3A_81 : memref<32x1024xf32, #tpu.memory_space<hbm>>) dst(%arg7 : memref<32x1024xf32, #tpu.memory_space<vmem>>)
      tpu.yield
    }) : () -> ()
    %dma_start3A_53 = arith.constant 3 : i32
    %dma_start3A_54 = arith.constant 0 : i32
    %dma_start3A_55 = tpu.memref_slice %arg5[%dma_start3A_53, %dma_start3A_54] : memref<4x32xi32, #tpu.memory_space<vmem>> -> memref<1x32xi32, #tpu.memory_space<vmem>>
    %dma_start3A_56 = tpu.memref_squeeze %dma_start3A_55 : memref<1x32xi32, #tpu.memory_space<vmem>> -> memref<32xi32, #tpu.memory_space<vmem>>
    %dma_start3A_57 = arith.constant 0 : i32
    %dma_start3A_58 = arith.constant 0 : i32
    %dma_start3A_59 = tpu.memref_slice %arg4[%dma_start3A_57, %dma_start3A_58] : memref<6144x1024xf32, #tpu.memory_space<hbm>> -> memref<6144x1024xf32, #tpu.memory_space<hbm>>
    tpu.enqueue_indirect_dma source(%arg7 : memref<32x1024xf32, #tpu.memory_space<vmem>>) target(%dma_start3A_59 : memref<6144x1024xf32, #tpu.memory_space<hbm>>) offsets(%dma_start3A_56 : memref<32xi32, #tpu.memory_space<vmem>>) semaphore(%arg9 : memref<!tpu.dma_semaphore, #tpu.memory_space<semaphore_mem>>)
    %dma_wait3A_60 = arith.constant 2 : i32
    %dma_wait3A_61 = arith.constant 0 : i32
    %dma_wait3A_62 = tpu.memref_slice %arg5[%dma_wait3A_60, %dma_wait3A_61] : memref<4x32xi32, #tpu.memory_space<vmem>> -> memref<1x32xi32, #tpu.memory_space<vmem>>
    %dma_wait3A_63 = tpu.memref_squeeze %dma_wait3A_62 : memref<1x32xi32, #tpu.memory_space<vmem>> -> memref<32xi32, #tpu.memory_space<vmem>>
    %dma_wait3A_64 = arith.constant 0 : i32
    %dma_wait3A_65 = arith.constant 0 : i32
    %dma_wait3A_66 = tpu.memref_slice %arg4[%dma_wait3A_64, %dma_wait3A_65] : memref<6144x1024xf32, #tpu.memory_space<hbm>> -> memref<6144x1024xf32, #tpu.memory_space<hbm>>
    tpu.wait_indirect_dma semaphore(%arg8 : memref<!tpu.dma_semaphore, #tpu.memory_space<semaphore_mem>>) src(%arg6 : memref<32x1024xf32, #tpu.memory_space<vmem>>) dst(%dma_wait3A_66 : memref<6144x1024xf32, #tpu.memory_space<hbm>>)
    %dma_wait3A_67 = arith.constant 3 : i32
    %dma_wait3A_68 = arith.constant 0 : i32
    %dma_wait3A_69 = tpu.memref_slice %arg5[%dma_wait3A_67, %dma_wait3A_68] : memref<4x32xi32, #tpu.memory_space<vmem>> -> memref<1x32xi32, #tpu.memory_space<vmem>>
    %dma_wait3A_70 = tpu.memref_squeeze %dma_wait3A_69 : memref<1x32xi32, #tpu.memory_space<vmem>> -> memref<32xi32, #tpu.memory_space<vmem>>
    %dma_wait3A_71 = arith.constant 0 : i32
    %dma_wait3A_72 = arith.constant 0 : i32
    %dma_wait3A_73 = tpu.memref_slice %arg4[%dma_wait3A_71, %dma_wait3A_72] : memref<6144x1024xf32, #tpu.memory_space<hbm>> -> memref<6144x1024xf32, #tpu.memory_space<hbm>>
    tpu.wait_indirect_dma semaphore(%arg9 : memref<!tpu.dma_semaphore, #tpu.memory_space<semaphore_mem>>) src(%arg7 : memref<32x1024xf32, #tpu.memory_space<vmem>>) dst(%dma_wait3A_73 : memref<6144x1024xf32, #tpu.memory_space<hbm>>)
    return
  }
}

module attributes {stable_mosaic.version = 14 : i64} {
  func.func @_router_body(%arg0: memref<2048x1024xf32, #tpu.memory_space<vmem>>, %arg1: memref<8x1024xf32, #tpu.memory_space<vmem>>, %arg2: memref<2048x1xf32, #tpu.memory_space<vmem>>, %arg3: memref<2048x1xf32, #tpu.memory_space<vmem>>, %arg4: memref<2048x1xi32, #tpu.memory_space<vmem>>, %arg5: memref<2048x1xi32, #tpu.memory_space<vmem>>, %arg6: memref<1x128xi32, #tpu.memory_space<vmem>>) attributes {dimension_semantics = [], scalar_prefetch = 0 : i64, scratch_operands = 0 : i64, tpu.core_type = #tpu.core_type<tc>} {
    %get3A = arith.constant 0 : index
    %get3A_0 = arith.constant 0 : index
    %get3A_1 = vector.load %arg0[%get3A, %get3A_0] : memref<2048x1024xf32, #tpu.memory_space<vmem>>, vector<2048x1024xf32>
    %get3A_2 = arith.constant 0 : index
    %get3A_3 = arith.constant 0 : index
    %get3A_4 = vector.load %arg1[%get3A_2, %get3A_3] : memref<8x1024xf32, #tpu.memory_space<vmem>>, vector<8x1024xf32>
    %dot_general3A = arith.constant dense<0.000000e+00> : vector<2048x8xf32>
    %dot_general3A_5 = tpu.matmul %get3A_1, %get3A_4, %dot_general3A {dimension_numbers = #tpu.dot_dimension_numbers<[1], [1], [0], [0], [0, 0, 1, 0], [], []>, transpose_lhs_hint = false} : vector<2048x1024xf32>, vector<8x1024xf32>, vector<2048x8xf32> -> vector<2048x8xf32>
    %iota3A = tpu.iota {dimensions = array<i32: 1>} : vector<2048x8xi32>
    %reduce_max3A = arith.constant dense<0xFF800000> : vector<2048xf32>
    %reduce_max3A_6 = vector.multi_reduction <maximumf>, %dot_general3A_5, %reduce_max3A [1] : vector<2048x8xf32> to vector<2048xf32>
    %broadcast_in_dim3A = vector.shape_cast %reduce_max3A_6 : vector<2048xf32> to vector<2048x1xf32>
    %eq3A = vector.broadcast %broadcast_in_dim3A : vector<2048x1xf32> to vector<2048x8xf32>
    %eq3A_7 = arith.cmpf oeq, %dot_general3A_5, %eq3A : vector<2048x8xf32>
    %jit3A = arith.constant 8 : i32
    %broadcast_in_dim3A_8 = vector.broadcast %jit3A : i32 to vector<2048x8xi32>
    %select_n3A = arith.select %eq3A_7, %iota3A, %broadcast_in_dim3A_8 : vector<2048x8xi1>, vector<2048x8xi32>
    %reduce_min3A = arith.constant dense<2147483647> : vector<2048xi32>
    %reduce_min3A_9 = vector.multi_reduction <minsi>, %select_n3A, %reduce_min3A [1] : vector<2048x8xi32> to vector<2048xi32>
    %broadcast_in_dim3A_10 = vector.shape_cast %reduce_min3A_9 : vector<2048xi32> to vector<2048x1xi32>
    %eq3A_11 = vector.broadcast %broadcast_in_dim3A_10 : vector<2048x1xi32> to vector<2048x8xi32>
    %eq3A_12 = arith.cmpi eq, %iota3A, %eq3A_11 : vector<2048x8xi32>
    %jit3A_13 = arith.constant 0xFF800000 : f32
    %broadcast_in_dim3A_14 = vector.broadcast %jit3A_13 : f32 to vector<2048x8xf32>
    %select_n3A_15 = arith.select %eq3A_12, %broadcast_in_dim3A_14, %dot_general3A_5 : vector<2048x8xi1>, vector<2048x8xf32>
    %reduce_max3A_16 = arith.constant dense<0xFF800000> : vector<2048xf32>
    %reduce_max3A_17 = vector.multi_reduction <maximumf>, %select_n3A_15, %reduce_max3A_16 [1] : vector<2048x8xf32> to vector<2048xf32>
    %broadcast_in_dim3A_18 = vector.shape_cast %reduce_max3A_17 : vector<2048xf32> to vector<2048x1xf32>
    %eq3A_19 = vector.broadcast %broadcast_in_dim3A_18 : vector<2048x1xf32> to vector<2048x8xf32>
    %eq3A_20 = arith.cmpf oeq, %select_n3A_15, %eq3A_19 : vector<2048x8xf32>
    %jit3A_21 = arith.constant 8 : i32
    %broadcast_in_dim3A_22 = vector.broadcast %jit3A_21 : i32 to vector<2048x8xi32>
    %select_n3A_23 = arith.select %eq3A_20, %iota3A, %broadcast_in_dim3A_22 : vector<2048x8xi1>, vector<2048x8xi32>
    %reduce_min3A_24 = arith.constant dense<2147483647> : vector<2048xi32>
    %reduce_min3A_25 = vector.multi_reduction <minsi>, %select_n3A_23, %reduce_min3A_24 [1] : vector<2048x8xi32> to vector<2048xi32>
    %broadcast_in_dim3A_26 = vector.shape_cast %reduce_min3A_25 : vector<2048xi32> to vector<2048x1xi32>
    %sub3A = arith.subf %broadcast_in_dim3A_18, %broadcast_in_dim3A : vector<2048x1xf32>
    %exp3A = math.exp %sub3A : vector<2048x1xf32>
    %add3A = arith.constant 1.000000e+00 : f32
    %add3A_27 = vector.broadcast %add3A : f32 to vector<2048x1xf32>
    %add3A_28 = arith.addf %add3A_27, %exp3A : vector<2048x1xf32>
    %div3A = arith.constant 1.000000e+00 : f32
    %div3A_29 = vector.broadcast %div3A : f32 to vector<2048x1xf32>
    %div3A_30 = arith.divf %div3A_29, %add3A_28 : vector<2048x1xf32>
    %swap3A = arith.constant 0 : index
    %swap3A_31 = arith.constant 0 : index
    %swap3A_32 = vector.load %arg2[%swap3A, %swap3A_31] : memref<2048x1xf32, #tpu.memory_space<vmem>>, vector<2048x1xf32>
    tpu.vector_store %arg2[%swap3A, %swap3A_31], %div3A_30 {strides = array<i32>} : memref<2048x1xf32, #tpu.memory_space<vmem>>, vector<2048x1xf32>,
    %mul3A = arith.mulf %exp3A, %div3A_30 : vector<2048x1xf32>
    %swap3A_33 = arith.constant 0 : index
    %swap3A_34 = arith.constant 0 : index
    %swap3A_35 = vector.load %arg3[%swap3A_33, %swap3A_34] : memref<2048x1xf32, #tpu.memory_space<vmem>>, vector<2048x1xf32>
    tpu.vector_store %arg3[%swap3A_33, %swap3A_34], %mul3A {strides = array<i32>} : memref<2048x1xf32, #tpu.memory_space<vmem>>, vector<2048x1xf32>,
    %eq3A_36 = vector.broadcast %broadcast_in_dim3A_10 : vector<2048x1xi32> to vector<2048x8xi32>
    %eq3A_37 = arith.cmpi eq, %iota3A, %eq3A_36 : vector<2048x8xi32>
    %convert_element_type3A = arith.extui %eq3A_37 : vector<2048x8xi1> to vector<2048x8xi32>
    %convert_element_type3A_38 = arith.sitofp %convert_element_type3A : vector<2048x8xi32> to vector<2048x8xf32>
    %eq3A_39 = vector.broadcast %broadcast_in_dim3A_26 : vector<2048x1xi32> to vector<2048x8xi32>
    %eq3A_40 = arith.cmpi eq, %iota3A, %eq3A_39 : vector<2048x8xi32>
    %convert_element_type3A_41 = arith.extui %eq3A_40 : vector<2048x8xi1> to vector<2048x8xi32>
    %convert_element_type3A_42 = arith.sitofp %convert_element_type3A_41 : vector<2048x8xi32> to vector<2048x8xf32>
    %broadcast_in_dim3A_43 = arith.constant 0.000000e+00 : f32
    %broadcast_in_dim3A_44 = vector.broadcast %broadcast_in_dim3A_43 : f32 to vector<1x8xf32>
    %slice3A = vector.extract_strided_slice %convert_element_type3A_38 {offsets = [0, 0], sizes = [2047, 8], strides = [1, 1]} : vector<2048x8xf32> to vector<2047x8xf32>
    %concatenate3A = tpu.concatenate %broadcast_in_dim3A_44, %slice3A in 0 : vector<1x8xf32>, vector<2047x8xf32> -> vector<2048x8xf32>
    %add3A_45 = arith.addf %convert_element_type3A_38, %concatenate3A : vector<2048x8xf32>
    %broadcast_in_dim3A_46 = arith.constant 0.000000e+00 : f32
    %broadcast_in_dim3A_47 = vector.broadcast %broadcast_in_dim3A_46 : f32 to vector<2x8xf32>
    %slice3A_48 = vector.extract_strided_slice %add3A_45 {offsets = [0, 0], sizes = [2046, 8], strides = [1, 1]} : vector<2048x8xf32> to vector<2046x8xf32>
    %concatenate3A_49 = tpu.concatenate %broadcast_in_dim3A_47, %slice3A_48 in 0 : vector<2x8xf32>, vector<2046x8xf32> -> vector<2048x8xf32>
    %add3A_50 = arith.addf %add3A_45, %concatenate3A_49 : vector<2048x8xf32>
    %broadcast_in_dim3A_51 = arith.constant 0.000000e+00 : f32
    %broadcast_in_dim3A_52 = vector.broadcast %broadcast_in_dim3A_51 : f32 to vector<4x8xf32>
    %slice3A_53 = vector.extract_strided_slice %add3A_50 {offsets = [0, 0], sizes = [2044, 8], strides = [1, 1]} : vector<2048x8xf32> to vector<2044x8xf32>
    %concatenate3A_54 = tpu.concatenate %broadcast_in_dim3A_52, %slice3A_53 in 0 : vector<4x8xf32>, vector<2044x8xf32> -> vector<2048x8xf32>
    %add3A_55 = arith.addf %add3A_50, %concatenate3A_54 : vector<2048x8xf32>
    %broadcast_in_dim3A_56 = arith.constant 0.000000e+00 : f32
    %broadcast_in_dim3A_57 = vector.broadcast %broadcast_in_dim3A_56 : f32 to vector<8x8xf32>
    %slice3A_58 = vector.extract_strided_slice %add3A_55 {offsets = [0, 0], sizes = [2040, 8], strides = [1, 1]} : vector<2048x8xf32> to vector<2040x8xf32>
    %concatenate3A_59 = tpu.concatenate %broadcast_in_dim3A_57, %slice3A_58 in 0 : vector<8x8xf32>, vector<2040x8xf32> -> vector<2048x8xf32>
    %add3A_60 = arith.addf %add3A_55, %concatenate3A_59 : vector<2048x8xf32>
    %broadcast_in_dim3A_61 = arith.constant 0.000000e+00 : f32
    %broadcast_in_dim3A_62 = vector.broadcast %broadcast_in_dim3A_61 : f32 to vector<16x8xf32>
    %slice3A_63 = vector.extract_strided_slice %add3A_60 {offsets = [0, 0], sizes = [2032, 8], strides = [1, 1]} : vector<2048x8xf32> to vector<2032x8xf32>
    %concatenate3A_64 = tpu.concatenate %broadcast_in_dim3A_62, %slice3A_63 in 0 : vector<16x8xf32>, vector<2032x8xf32> -> vector<2048x8xf32>
    %add3A_65 = arith.addf %add3A_60, %concatenate3A_64 : vector<2048x8xf32>
    %broadcast_in_dim3A_66 = arith.constant 0.000000e+00 : f32
    %broadcast_in_dim3A_67 = vector.broadcast %broadcast_in_dim3A_66 : f32 to vector<32x8xf32>
    %slice3A_68 = vector.extract_strided_slice %add3A_65 {offsets = [0, 0], sizes = [2016, 8], strides = [1, 1]} : vector<2048x8xf32> to vector<2016x8xf32>
    %concatenate3A_69 = tpu.concatenate %broadcast_in_dim3A_67, %slice3A_68 in 0 : vector<32x8xf32>, vector<2016x8xf32> -> vector<2048x8xf32>
    %add3A_70 = arith.addf %add3A_65, %concatenate3A_69 : vector<2048x8xf32>
    %broadcast_in_dim3A_71 = arith.constant 0.000000e+00 : f32
    %broadcast_in_dim3A_72 = vector.broadcast %broadcast_in_dim3A_71 : f32 to vector<64x8xf32>
    %slice3A_73 = vector.extract_strided_slice %add3A_70 {offsets = [0, 0], sizes = [1984, 8], strides = [1, 1]} : vector<2048x8xf32> to vector<1984x8xf32>
    %concatenate3A_74 = tpu.concatenate %broadcast_in_dim3A_72, %slice3A_73 in 0 : vector<64x8xf32>, vector<1984x8xf32> -> vector<2048x8xf32>
    %add3A_75 = arith.addf %add3A_70, %concatenate3A_74 : vector<2048x8xf32>
    %broadcast_in_dim3A_76 = arith.constant 0.000000e+00 : f32
    %broadcast_in_dim3A_77 = vector.broadcast %broadcast_in_dim3A_76 : f32 to vector<128x8xf32>
    %slice3A_78 = vector.extract_strided_slice %add3A_75 {offsets = [0, 0], sizes = [1920, 8], strides = [1, 1]} : vector<2048x8xf32> to vector<1920x8xf32>
    %concatenate3A_79 = tpu.concatenate %broadcast_in_dim3A_77, %slice3A_78 in 0 : vector<128x8xf32>, vector<1920x8xf32> -> vector<2048x8xf32>
    %add3A_80 = arith.addf %add3A_75, %concatenate3A_79 : vector<2048x8xf32>
    %broadcast_in_dim3A_81 = arith.constant 0.000000e+00 : f32
    %broadcast_in_dim3A_82 = vector.broadcast %broadcast_in_dim3A_81 : f32 to vector<256x8xf32>
    %slice3A_83 = vector.extract_strided_slice %add3A_80 {offsets = [0, 0], sizes = [1792, 8], strides = [1, 1]} : vector<2048x8xf32> to vector<1792x8xf32>
    %concatenate3A_84 = tpu.concatenate %broadcast_in_dim3A_82, %slice3A_83 in 0 : vector<256x8xf32>, vector<1792x8xf32> -> vector<2048x8xf32>
    %add3A_85 = arith.addf %add3A_80, %concatenate3A_84 : vector<2048x8xf32>
    %broadcast_in_dim3A_86 = arith.constant 0.000000e+00 : f32
    %broadcast_in_dim3A_87 = vector.broadcast %broadcast_in_dim3A_86 : f32 to vector<512x8xf32>
    %slice3A_88 = vector.extract_strided_slice %add3A_85 {offsets = [0, 0], sizes = [1536, 8], strides = [1, 1]} : vector<2048x8xf32> to vector<1536x8xf32>
    %concatenate3A_89 = tpu.concatenate %broadcast_in_dim3A_87, %slice3A_88 in 0 : vector<512x8xf32>, vector<1536x8xf32> -> vector<2048x8xf32>
    %add3A_90 = arith.addf %add3A_85, %concatenate3A_89 : vector<2048x8xf32>
    %broadcast_in_dim3A_91 = arith.constant 0.000000e+00 : f32
    %broadcast_in_dim3A_92 = vector.broadcast %broadcast_in_dim3A_91 : f32 to vector<1024x8xf32>
    %slice3A_93 = vector.extract_strided_slice %add3A_90 {offsets = [0, 0], sizes = [1024, 8], strides = [1, 1]} : vector<2048x8xf32> to vector<1024x8xf32>
    %concatenate3A_94 = tpu.concatenate %broadcast_in_dim3A_92, %slice3A_93 in 0 : vector<1024x8xf32>, vector<1024x8xf32> -> vector<2048x8xf32>
    %add3A_95 = arith.addf %add3A_90, %concatenate3A_94 : vector<2048x8xf32>
    %broadcast_in_dim3A_96 = arith.constant 0.000000e+00 : f32
    %broadcast_in_dim3A_97 = vector.broadcast %broadcast_in_dim3A_96 : f32 to vector<1x8xf32>
    %slice3A_98 = vector.extract_strided_slice %convert_element_type3A_42 {offsets = [0, 0], sizes = [2047, 8], strides = [1, 1]} : vector<2048x8xf32> to vector<2047x8xf32>
    %concatenate3A_99 = tpu.concatenate %broadcast_in_dim3A_97, %slice3A_98 in 0 : vector<1x8xf32>, vector<2047x8xf32> -> vector<2048x8xf32>
    %add3A_100 = arith.addf %convert_element_type3A_42, %concatenate3A_99 : vector<2048x8xf32>
    %broadcast_in_dim3A_101 = arith.constant 0.000000e+00 : f32
    %broadcast_in_dim3A_102 = vector.broadcast %broadcast_in_dim3A_101 : f32 to vector<2x8xf32>
    %slice3A_103 = vector.extract_strided_slice %add3A_100 {offsets = [0, 0], sizes = [2046, 8], strides = [1, 1]} : vector<2048x8xf32> to vector<2046x8xf32>
    %concatenate3A_104 = tpu.concatenate %broadcast_in_dim3A_102, %slice3A_103 in 0 : vector<2x8xf32>, vector<2046x8xf32> -> vector<2048x8xf32>
    %add3A_105 = arith.addf %add3A_100, %concatenate3A_104 : vector<2048x8xf32>
    %broadcast_in_dim3A_106 = arith.constant 0.000000e+00 : f32
    %broadcast_in_dim3A_107 = vector.broadcast %broadcast_in_dim3A_106 : f32 to vector<4x8xf32>
    %slice3A_108 = vector.extract_strided_slice %add3A_105 {offsets = [0, 0], sizes = [2044, 8], strides = [1, 1]} : vector<2048x8xf32> to vector<2044x8xf32>
    %concatenate3A_109 = tpu.concatenate %broadcast_in_dim3A_107, %slice3A_108 in 0 : vector<4x8xf32>, vector<2044x8xf32> -> vector<2048x8xf32>
    %add3A_110 = arith.addf %add3A_105, %concatenate3A_109 : vector<2048x8xf32>
    %broadcast_in_dim3A_111 = arith.constant 0.000000e+00 : f32
    %broadcast_in_dim3A_112 = vector.broadcast %broadcast_in_dim3A_111 : f32 to vector<8x8xf32>
    %slice3A_113 = vector.extract_strided_slice %add3A_110 {offsets = [0, 0], sizes = [2040, 8], strides = [1, 1]} : vector<2048x8xf32> to vector<2040x8xf32>
    %concatenate3A_114 = tpu.concatenate %broadcast_in_dim3A_112, %slice3A_113 in 0 : vector<8x8xf32>, vector<2040x8xf32> -> vector<2048x8xf32>
    %add3A_115 = arith.addf %add3A_110, %concatenate3A_114 : vector<2048x8xf32>
    %broadcast_in_dim3A_116 = arith.constant 0.000000e+00 : f32
    %broadcast_in_dim3A_117 = vector.broadcast %broadcast_in_dim3A_116 : f32 to vector<16x8xf32>
    %slice3A_118 = vector.extract_strided_slice %add3A_115 {offsets = [0, 0], sizes = [2032, 8], strides = [1, 1]} : vector<2048x8xf32> to vector<2032x8xf32>
    %concatenate3A_119 = tpu.concatenate %broadcast_in_dim3A_117, %slice3A_118 in 0 : vector<16x8xf32>, vector<2032x8xf32> -> vector<2048x8xf32>
    %add3A_120 = arith.addf %add3A_115, %concatenate3A_119 : vector<2048x8xf32>
    %broadcast_in_dim3A_121 = arith.constant 0.000000e+00 : f32
    %broadcast_in_dim3A_122 = vector.broadcast %broadcast_in_dim3A_121 : f32 to vector<32x8xf32>
    %slice3A_123 = vector.extract_strided_slice %add3A_120 {offsets = [0, 0], sizes = [2016, 8], strides = [1, 1]} : vector<2048x8xf32> to vector<2016x8xf32>
    %concatenate3A_124 = tpu.concatenate %broadcast_in_dim3A_122, %slice3A_123 in 0 : vector<32x8xf32>, vector<2016x8xf32> -> vector<2048x8xf32>
    %add3A_125 = arith.addf %add3A_120, %concatenate3A_124 : vector<2048x8xf32>
    %broadcast_in_dim3A_126 = arith.constant 0.000000e+00 : f32
    %broadcast_in_dim3A_127 = vector.broadcast %broadcast_in_dim3A_126 : f32 to vector<64x8xf32>
    %slice3A_128 = vector.extract_strided_slice %add3A_125 {offsets = [0, 0], sizes = [1984, 8], strides = [1, 1]} : vector<2048x8xf32> to vector<1984x8xf32>
    %concatenate3A_129 = tpu.concatenate %broadcast_in_dim3A_127, %slice3A_128 in 0 : vector<64x8xf32>, vector<1984x8xf32> -> vector<2048x8xf32>
    %add3A_130 = arith.addf %add3A_125, %concatenate3A_129 : vector<2048x8xf32>
    %broadcast_in_dim3A_131 = arith.constant 0.000000e+00 : f32
    %broadcast_in_dim3A_132 = vector.broadcast %broadcast_in_dim3A_131 : f32 to vector<128x8xf32>
    %slice3A_133 = vector.extract_strided_slice %add3A_130 {offsets = [0, 0], sizes = [1920, 8], strides = [1, 1]} : vector<2048x8xf32> to vector<1920x8xf32>
    %concatenate3A_134 = tpu.concatenate %broadcast_in_dim3A_132, %slice3A_133 in 0 : vector<128x8xf32>, vector<1920x8xf32> -> vector<2048x8xf32>
    %add3A_135 = arith.addf %add3A_130, %concatenate3A_134 : vector<2048x8xf32>
    %broadcast_in_dim3A_136 = arith.constant 0.000000e+00 : f32
    %broadcast_in_dim3A_137 = vector.broadcast %broadcast_in_dim3A_136 : f32 to vector<256x8xf32>
    %slice3A_138 = vector.extract_strided_slice %add3A_135 {offsets = [0, 0], sizes = [1792, 8], strides = [1, 1]} : vector<2048x8xf32> to vector<1792x8xf32>
    %concatenate3A_139 = tpu.concatenate %broadcast_in_dim3A_137, %slice3A_138 in 0 : vector<256x8xf32>, vector<1792x8xf32> -> vector<2048x8xf32>
    %add3A_140 = arith.addf %add3A_135, %concatenate3A_139 : vector<2048x8xf32>
    %broadcast_in_dim3A_141 = arith.constant 0.000000e+00 : f32
    %broadcast_in_dim3A_142 = vector.broadcast %broadcast_in_dim3A_141 : f32 to vector<512x8xf32>
    %slice3A_143 = vector.extract_strided_slice %add3A_140 {offsets = [0, 0], sizes = [1536, 8], strides = [1, 1]} : vector<2048x8xf32> to vector<1536x8xf32>
    %concatenate3A_144 = tpu.concatenate %broadcast_in_dim3A_142, %slice3A_143 in 0 : vector<512x8xf32>, vector<1536x8xf32> -> vector<2048x8xf32>
    %add3A_145 = arith.addf %add3A_140, %concatenate3A_144 : vector<2048x8xf32>
    %broadcast_in_dim3A_146 = arith.constant 0.000000e+00 : f32
    %broadcast_in_dim3A_147 = vector.broadcast %broadcast_in_dim3A_146 : f32 to vector<1024x8xf32>
    %slice3A_148 = vector.extract_strided_slice %add3A_145 {offsets = [0, 0], sizes = [1024, 8], strides = [1, 1]} : vector<2048x8xf32> to vector<1024x8xf32>
    %concatenate3A_149 = tpu.concatenate %broadcast_in_dim3A_147, %slice3A_148 in 0 : vector<1024x8xf32>, vector<1024x8xf32> -> vector<2048x8xf32>
    %add3A_150 = arith.addf %add3A_145, %concatenate3A_149 : vector<2048x8xf32>
    %sub3A_151 = arith.subf %add3A_95, %convert_element_type3A_38 : vector<2048x8xf32>
    %slice3A_152 = vector.extract_strided_slice %add3A_95 {offsets = [2047, 0], sizes = [1, 8], strides = [1, 1]} : vector<2048x8xf32> to vector<1x8xf32>
    %sub3A_153 = arith.subf %add3A_150, %convert_element_type3A_42 : vector<2048x8xf32>
    %add3A_154 = vector.broadcast %slice3A_152 : vector<1x8xf32> to vector<2048x8xf32>
    %add3A_155 = arith.addf %add3A_154, %sub3A_153 : vector<2048x8xf32>
    %slice3A_156 = vector.extract_strided_slice %add3A_150 {offsets = [2047, 0], sizes = [1, 8], strides = [1, 1]} : vector<2048x8xf32> to vector<1x8xf32>
    %add3A_157 = arith.addf %slice3A_152, %slice3A_156 : vector<1x8xf32>
    %mul3A_158 = arith.constant 3.906250e-03 : f32
    %mul3A_159 = vector.broadcast %mul3A_158 : f32 to vector<1x8xf32>
    %mul3A_160 = arith.mulf %add3A_157, %mul3A_159 : vector<1x8xf32>
    %ceil3A = math.ceil %mul3A_160 : vector<1x8xf32>
    %mul3A_161 = arith.constant 2.560000e+02 : f32
    %mul3A_162 = vector.broadcast %mul3A_161 : f32 to vector<1x8xf32>
    %mul3A_163 = arith.mulf %ceil3A, %mul3A_162 : vector<1x8xf32>
    %broadcast_in_dim3A_164 = arith.constant 0.000000e+00 : f32
    %broadcast_in_dim3A_165 = vector.broadcast %broadcast_in_dim3A_164 : f32 to vector<1x1xf32>
    %slice3A_166 = vector.extract_strided_slice %mul3A_163 {offsets = [0, 0], sizes = [1, 7], strides = [1, 1]} : vector<1x8xf32> to vector<1x7xf32>
    %concatenate3A_167 = tpu.concatenate %broadcast_in_dim3A_165, %slice3A_166 in 1 : vector<1x1xf32>, vector<1x7xf32> -> vector<1x8xf32>
    %add3A_168 = arith.addf %mul3A_163, %concatenate3A_167 : vector<1x8xf32>
    %broadcast_in_dim3A_169 = arith.constant 0.000000e+00 : f32
    %broadcast_in_dim3A_170 = vector.broadcast %broadcast_in_dim3A_169 : f32 to vector<1x2xf32>
    %slice3A_171 = vector.extract_strided_slice %add3A_168 {offsets = [0, 0], sizes = [1, 6], strides = [1, 1]} : vector<1x8xf32> to vector<1x6xf32>
    %concatenate3A_172 = tpu.concatenate %broadcast_in_dim3A_170, %slice3A_171 in 1 : vector<1x2xf32>, vector<1x6xf32> -> vector<1x8xf32>
    %add3A_173 = arith.addf %add3A_168, %concatenate3A_172 : vector<1x8xf32>
    %broadcast_in_dim3A_174 = arith.constant 0.000000e+00 : f32
    %broadcast_in_dim3A_175 = vector.broadcast %broadcast_in_dim3A_174 : f32 to vector<1x4xf32>
    %slice3A_176 = vector.extract_strided_slice %add3A_173 {offsets = [0, 0], sizes = [1, 4], strides = [1, 1]} : vector<1x8xf32> to vector<1x4xf32>
    %concatenate3A_177 = tpu.concatenate %broadcast_in_dim3A_175, %slice3A_176 in 1 : vector<1x4xf32>, vector<1x4xf32> -> vector<1x8xf32>
    %add3A_178 = arith.addf %add3A_173, %concatenate3A_177 : vector<1x8xf32>
    %sub3A_179 = arith.subf %add3A_178, %mul3A_163 : vector<1x8xf32>
    %add3A_180 = vector.broadcast %sub3A_179 : vector<1x8xf32> to vector<2048x8xf32>
    %add3A_181 = arith.addf %sub3A_151, %add3A_180 : vector<2048x8xf32>
    %mul3A_182 = arith.mulf %convert_element_type3A_38, %add3A_181 : vector<2048x8xf32>
    %reduce_sum3A = arith.constant dense<0.000000e+00> : vector<2048xf32>
    %reduce_sum3A_183 = vector.multi_reduction <add>, %mul3A_182, %reduce_sum3A [1] : vector<2048x8xf32> to vector<2048xf32>
    %broadcast_in_dim3A_184 = vector.shape_cast %reduce_sum3A_183 : vector<2048xf32> to vector<2048x1xf32>
    %add3A_185 = vector.broadcast %sub3A_179 : vector<1x8xf32> to vector<2048x8xf32>
    %add3A_186 = arith.addf %add3A_155, %add3A_185 : vector<2048x8xf32>
    %mul3A_187 = arith.mulf %convert_element_type3A_42, %add3A_186 : vector<2048x8xf32>
    %reduce_sum3A_188 = arith.constant dense<0.000000e+00> : vector<2048xf32>
    %reduce_sum3A_189 = vector.multi_reduction <add>, %mul3A_187, %reduce_sum3A_188 [1] : vector<2048x8xf32> to vector<2048xf32>
    %broadcast_in_dim3A_190 = vector.shape_cast %reduce_sum3A_189 : vector<2048xf32> to vector<2048x1xf32>
    %convert_element_type3A_191 = arith.fptosi %broadcast_in_dim3A_184 : vector<2048x1xf32> to vector<2048x1xi32>
    %swap3A_192 = arith.constant 0 : index
    %swap3A_193 = arith.constant 0 : index
    %swap3A_194 = vector.load %arg4[%swap3A_192, %swap3A_193] : memref<2048x1xi32, #tpu.memory_space<vmem>>, vector<2048x1xi32>
    tpu.vector_store %arg4[%swap3A_192, %swap3A_193], %convert_element_type3A_191 {strides = array<i32>} : memref<2048x1xi32, #tpu.memory_space<vmem>>, vector<2048x1xi32>,
    %convert_element_type3A_195 = arith.fptosi %broadcast_in_dim3A_190 : vector<2048x1xf32> to vector<2048x1xi32>
    %swap3A_196 = arith.constant 0 : index
    %swap3A_197 = arith.constant 0 : index
    %swap3A_198 = vector.load %arg5[%swap3A_196, %swap3A_197] : memref<2048x1xi32, #tpu.memory_space<vmem>>, vector<2048x1xi32>
    tpu.vector_store %arg5[%swap3A_196, %swap3A_197], %convert_element_type3A_195 {strides = array<i32>} : memref<2048x1xi32, #tpu.memory_space<vmem>>, vector<2048x1xi32>,
    %transpose3A = tpu.transpose %add3A_178, [1, 0] : vector<1x8xf32> -> vector<8x1xf32>
    %iota3A_199 = tpu.iota {dimensions = array<i32: 1>} : vector<8x128xi32>
    %convert_element_type3A_200 = arith.sitofp %iota3A_199 : vector<8x128xi32> to vector<8x128xf32>
    %mul3A_201 = arith.constant 2.560000e+02 : f32
    %mul3A_202 = vector.broadcast %mul3A_201 : f32 to vector<8x128xf32>
    %mul3A_203 = arith.mulf %convert_element_type3A_200, %mul3A_202 : vector<8x128xf32>
    %ge3A = vector.broadcast %transpose3A : vector<8x1xf32> to vector<8x128xf32>
    %ge3A_204 = arith.cmpf oge, %mul3A_203, %ge3A : vector<8x128xf32>
    %convert_element_type3A_205 = arith.extui %ge3A_204 : vector<8x128xi1> to vector<8x128xi32>
    %reduce_sum3A_206 = arith.constant dense<0> : vector<128xi32>
    %reduce_sum3A_207 = vector.multi_reduction <add>, %convert_element_type3A_205, %reduce_sum3A_206 [0] : vector<8x128xi32> to vector<128xi32>
    %broadcast_in_dim3A_208 = vector.shape_cast %reduce_sum3A_207 : vector<128xi32> to vector<1x128xi32>
    %swap3A_209 = arith.constant 0 : index
    %swap3A_210 = arith.constant 0 : index
    %swap3A_211 = vector.load %arg6[%swap3A_209, %swap3A_210] : memref<1x128xi32, #tpu.memory_space<vmem>>, vector<1x128xi32>
    tpu.vector_store %arg6[%swap3A_209, %swap3A_210], %broadcast_in_dim3A_208 {strides = array<i32>} : memref<1x128xi32, #tpu.memory_space<vmem>>, vector<1x128xi32>,
    return
  }
}

module attributes {stable_mosaic.version = 14 : i64} {
  func.func @_gmm_body(%arg0: i32, %arg1: memref<24xi32, #tpu.memory_space<smem>>, %arg2: memref<256x1024xf32, #tpu.memory_space<vmem>>, %arg3: memref<1x1024x512xbf16, #tpu.memory_space<vmem>>, %arg4: memref<1x1024x512xbf16, #tpu.memory_space<vmem>>, %arg5: memref<1x512x1024xbf16, #tpu.memory_space<vmem>>, %arg6: memref<256x1024xf32, #tpu.memory_space<vmem>>) attributes {dimension_semantics = [#tpu.dimension_semantics<arbitrary>], iteration_bounds = array<i64: 24>, scalar_prefetch = 1 : i64, scratch_operands = 0 : i64, tpu.core_type = #tpu.core_type<tc>, window_params = [{transform_indices = @transform_0, window_bounds = array<i64: 256, 1024>}, {transform_indices = @transform_1, window_bounds = array<i64: 1, 1024, 512>}, {transform_indices = @transform_2, window_bounds = array<i64: 1, 1024, 512>}, {transform_indices = @transform_3, window_bounds = array<i64: 1, 512, 1024>}, {transform_indices = @transform_4, window_bounds = array<i64: 256, 1024>}]} {
    %get3A = arith.index_cast %arg0 : i32 to index
    %get3A_0 = memref.load %arg1[%get3A] : memref<24xi32, #tpu.memory_space<smem>>
    %lt3A = arith.constant 8 : i32
    %lt3A_1 = arith.cmpi slt, %get3A_0, %lt3A : i32
    %convert_element_type3A = arith.extui %lt3A_1 : i1 to i32
    %cond3A = arith.constant 0 : i32
    %cond3A_2 = arith.cmpi ne, %convert_element_type3A, %cond3A : i32
    scf.if %cond3A_2 {
      %get3A_3 = arith.constant 0 : index
      %get3A_4 = arith.constant 0 : index
      %get3A_5 = vector.load %arg2[%get3A_3, %get3A_4] : memref<256x1024xf32, #tpu.memory_space<vmem>>, vector<256x1024xf32>
      %convert_element_type3A_6 = arith.truncf %get3A_5 : vector<256x1024xf32> to vector<256x1024xbf16>
      %get3A_7 = arith.constant 0 : index
      %get3A_8 = arith.constant 0 : index
      %get3A_9 = arith.constant 0 : index
      %get3A_10 = vector.load %arg3[%get3A_7, %get3A_8, %get3A_9] : memref<1x1024x512xbf16, #tpu.memory_space<vmem>>, vector<1x1024x512xbf16>
      %get3A_11 = vector.shape_cast %get3A_10 : vector<1x1024x512xbf16> to vector<1024x512xbf16>
      %get3A_12 = arith.constant 0 : index
      %get3A_13 = arith.constant 0 : index
      %get3A_14 = arith.constant 0 : index
      %get3A_15 = vector.load %arg4[%get3A_12, %get3A_13, %get3A_14] : memref<1x1024x512xbf16, #tpu.memory_space<vmem>>, vector<1x1024x512xbf16>
      %get3A_16 = vector.shape_cast %get3A_15 : vector<1x1024x512xbf16> to vector<1024x512xbf16>
      %get3A_17 = arith.constant 0 : index
      %get3A_18 = arith.constant 0 : index
      %get3A_19 = arith.constant 0 : index
      %get3A_20 = vector.load %arg5[%get3A_17, %get3A_18, %get3A_19] : memref<1x512x1024xbf16, #tpu.memory_space<vmem>>, vector<1x512x1024xbf16>
      %get3A_21 = vector.shape_cast %get3A_20 : vector<1x512x1024xbf16> to vector<512x1024xbf16>
      %dot_general3A = arith.constant dense<0.000000e+00> : vector<256x512xf32>
      %dot_general3A_22 = tpu.matmul %convert_element_type3A_6, %get3A_11, %dot_general3A {dimension_numbers = #tpu.dot_dimension_numbers<[1], [0], [0], [1], [0, 0, 1, 1], [], []>, transpose_lhs_hint = false} : vector<256x1024xbf16>, vector<1024x512xbf16>, vector<256x512xf32> -> vector<256x512xf32>
      %dot_general3A_23 = arith.constant dense<0.000000e+00> : vector<256x512xf32>
      %dot_general3A_24 = tpu.matmul %convert_element_type3A_6, %get3A_16, %dot_general3A_23 {dimension_numbers = #tpu.dot_dimension_numbers<[1], [0], [0], [1], [0, 0, 1, 1], [], []>, transpose_lhs_hint = false} : vector<256x1024xbf16>, vector<1024x512xbf16>, vector<256x512xf32> -> vector<256x512xf32>
      %neg3A = arith.constant 0.000000e+00 : f32
      %neg3A_25 = vector.broadcast %neg3A : f32 to vector<256x512xf32>
      %neg3A_26 = arith.subf %neg3A_25, %dot_general3A_22 : vector<256x512xf32>
      %exp3A = math.exp %neg3A_26 : vector<256x512xf32>
      %add3A = arith.constant 1.000000e+00 : f32
      %add3A_27 = vector.broadcast %add3A : f32 to vector<256x512xf32>
      %add3A_28 = arith.addf %add3A_27, %exp3A : vector<256x512xf32>
      %div3A = arith.constant 1.000000e+00 : f32
      %div3A_29 = vector.broadcast %div3A : f32 to vector<256x512xf32>
      %div3A_30 = arith.divf %div3A_29, %add3A_28 : vector<256x512xf32>
      %mul3A = arith.mulf %dot_general3A_22, %div3A_30 : vector<256x512xf32>
      %convert_element_type3A_31 = arith.truncf %mul3A : vector<256x512xf32> to vector<256x512xbf16>
      %convert_element_type3A_32 = arith.truncf %dot_general3A_24 : vector<256x512xf32> to vector<256x512xbf16>
      %mul3A_33 = arith.mulf %convert_element_type3A_31, %convert_element_type3A_32 : vector<256x512xbf16>
      %dot_general3A_34 = arith.constant dense<0.000000e+00> : vector<256x1024xf32>
      %dot_general3A_35 = tpu.matmul %mul3A_33, %get3A_21, %dot_general3A_34 {dimension_numbers = #tpu.dot_dimension_numbers<[1], [0], [0], [1], [0, 0, 1, 1], [], []>, transpose_lhs_hint = false} : vector<256x512xbf16>, vector<512x1024xbf16>, vector<256x1024xf32> -> vector<256x1024xf32>
      %swap3A = arith.constant 0 : index
      %swap3A_36 = arith.constant 0 : index
      %swap3A_37 = vector.load %arg6[%swap3A, %swap3A_36] : memref<256x1024xf32, #tpu.memory_space<vmem>>, vector<256x1024xf32>
      tpu.vector_store %arg6[%swap3A, %swap3A_36], %dot_general3A_35 {strides = array<i32>} : memref<256x1024xf32, #tpu.memory_space<vmem>>, vector<256x1024xf32>,
    } else {
    }
    return
  }
  func.func @transform_0(%arg0: i32, %arg1: memref<24xi32, #tpu.memory_space<smem>>) -> (i32, i32) {
    %c0_i32 = arith.constant 0 : i32
    %c0_i32_0 = arith.constant 0 : i32
    return %arg0, %c0_i32 : i32, i32
  }
  func.func @transform_1(%arg0: i32, %arg1: memref<24xi32, #tpu.memory_space<smem>>) -> (i32, i32, i32) {
    %get3A = arith.index_cast %arg0 : i32 to index
    %get3A_0 = memref.load %arg1[%get3A] : memref<24xi32, #tpu.memory_space<smem>>
    %min3A = arith.constant 7 : i32
    %min3A_1 = arith.minsi %get3A_0, %min3A : i32
    %c0_i32 = arith.constant 0 : i32
    %c0_i32_2 = arith.constant 0 : i32
    %c0_i32_3 = arith.constant 0 : i32
    return %min3A_1, %c0_i32, %c0_i32_2 : i32, i32, i32
  }
  func.func @transform_2(%arg0: i32, %arg1: memref<24xi32, #tpu.memory_space<smem>>) -> (i32, i32, i32) {
    %get3A = arith.index_cast %arg0 : i32 to index
    %get3A_0 = memref.load %arg1[%get3A] : memref<24xi32, #tpu.memory_space<smem>>
    %min3A = arith.constant 7 : i32
    %min3A_1 = arith.minsi %get3A_0, %min3A : i32
    %c0_i32 = arith.constant 0 : i32
    %c0_i32_2 = arith.constant 0 : i32
    %c0_i32_3 = arith.constant 0 : i32
    return %min3A_1, %c0_i32, %c0_i32_2 : i32, i32, i32
  }
  func.func @transform_3(%arg0: i32, %arg1: memref<24xi32, #tpu.memory_space<smem>>) -> (i32, i32, i32) {
    %get3A = arith.index_cast %arg0 : i32 to index
    %get3A_0 = memref.load %arg1[%get3A] : memref<24xi32, #tpu.memory_space<smem>>
    %min3A = arith.constant 7 : i32
    %min3A_1 = arith.minsi %get3A_0, %min3A : i32
    %c0_i32 = arith.constant 0 : i32
    %c0_i32_2 = arith.constant 0 : i32
    %c0_i32_3 = arith.constant 0 : i32
    return %min3A_1, %c0_i32, %c0_i32_2 : i32, i32, i32
  }
  func.func @transform_4(%arg0: i32, %arg1: memref<24xi32, #tpu.memory_space<smem>>) -> (i32, i32) {
    %c0_i32 = arith.constant 0 : i32
    %c0_i32_0 = arith.constant 0 : i32
    return %arg0, %c0_i32 : i32, i32
  }
}

module attributes {stable_mosaic.version = 14 : i64} {
  func.func @_combine_body(%arg0: i32, %arg1: memref<512x1024xf32, #tpu.memory_space<vmem>>, %arg2: memref<512x1024xf32, #tpu.memory_space<vmem>>, %arg3: memref<512x1024xbf16, #tpu.memory_space<vmem>>, %arg4: memref<1024x512xbf16, #tpu.memory_space<vmem>>, %arg5: memref<1024x512xbf16, #tpu.memory_space<vmem>>, %arg6: memref<512x1024xbf16, #tpu.memory_space<vmem>>, %arg7: memref<512x1xf32, #tpu.memory_space<vmem>>, %arg8: memref<512x1xf32, #tpu.memory_space<vmem>>, %arg9: memref<512x1024xf32, #tpu.memory_space<vmem>>) attributes {dimension_semantics = [#tpu.dimension_semantics<arbitrary>], iteration_bounds = array<i64: 4>, scalar_prefetch = 0 : i64, scratch_operands = 0 : i64, tpu.core_type = #tpu.core_type<tc>, window_params = [{transform_indices = @transform_0, window_bounds = array<i64: 512, 1024>}, {transform_indices = @transform_1, window_bounds = array<i64: 512, 1024>}, {transform_indices = @transform_2, window_bounds = array<i64: 512, 1024>}, {pipeline_mode = #tpu.pipeline_mode<synchronous>, transform_indices = @transform_3, window_bounds = array<i64: 1024, 512>}, {pipeline_mode = #tpu.pipeline_mode<synchronous>, transform_indices = @transform_4, window_bounds = array<i64: 1024, 512>}, {pipeline_mode = #tpu.pipeline_mode<synchronous>, transform_indices = @transform_5, window_bounds = array<i64: 512, 1024>}, {transform_indices = @transform_6, window_bounds = array<i64: 512, 1>}, {transform_indices = @transform_7, window_bounds = array<i64: 512, 1>}, {transform_indices = @transform_8, window_bounds = array<i64: 512, 1024>}]} {
    %get3A = arith.constant 0 : index
    %get3A_0 = arith.constant 0 : index
    %get3A_1 = vector.load %arg3[%get3A, %get3A_0] : memref<512x1024xbf16, #tpu.memory_space<vmem>>, vector<512x1024xbf16>
    %get3A_2 = arith.constant 0 : index
    %get3A_3 = arith.constant 0 : index
    %get3A_4 = vector.load %arg4[%get3A_2, %get3A_3] : memref<1024x512xbf16, #tpu.memory_space<vmem>>, vector<1024x512xbf16>
    %get3A_5 = arith.constant 0 : index
    %get3A_6 = arith.constant 0 : index
    %get3A_7 = vector.load %arg5[%get3A_5, %get3A_6] : memref<1024x512xbf16, #tpu.memory_space<vmem>>, vector<1024x512xbf16>
    %get3A_8 = arith.constant 0 : index
    %get3A_9 = arith.constant 0 : index
    %get3A_10 = vector.load %arg6[%get3A_8, %get3A_9] : memref<512x1024xbf16, #tpu.memory_space<vmem>>, vector<512x1024xbf16>
    %dot_general3A = arith.constant dense<0.000000e+00> : vector<512x512xf32>
    %dot_general3A_11 = tpu.matmul %get3A_1, %get3A_4, %dot_general3A {dimension_numbers = #tpu.dot_dimension_numbers<[1], [0], [0], [1], [0, 0, 1, 1], [], []>, transpose_lhs_hint = false} : vector<512x1024xbf16>, vector<1024x512xbf16>, vector<512x512xf32> -> vector<512x512xf32>
    %dot_general3A_12 = arith.constant dense<0.000000e+00> : vector<512x512xf32>
    %dot_general3A_13 = tpu.matmul %get3A_1, %get3A_7, %dot_general3A_12 {dimension_numbers = #tpu.dot_dimension_numbers<[1], [0], [0], [1], [0, 0, 1, 1], [], []>, transpose_lhs_hint = false} : vector<512x1024xbf16>, vector<1024x512xbf16>, vector<512x512xf32> -> vector<512x512xf32>
    %neg3A = arith.constant 0.000000e+00 : f32
    %neg3A_14 = vector.broadcast %neg3A : f32 to vector<512x512xf32>
    %neg3A_15 = arith.subf %neg3A_14, %dot_general3A_11 : vector<512x512xf32>
    %exp3A = math.exp %neg3A_15 : vector<512x512xf32>
    %add3A = arith.constant 1.000000e+00 : f32
    %add3A_16 = vector.broadcast %add3A : f32 to vector<512x512xf32>
    %add3A_17 = arith.addf %add3A_16, %exp3A : vector<512x512xf32>
    %div3A = arith.constant 1.000000e+00 : f32
    %div3A_18 = vector.broadcast %div3A : f32 to vector<512x512xf32>
    %div3A_19 = arith.divf %div3A_18, %add3A_17 : vector<512x512xf32>
    %mul3A = arith.mulf %dot_general3A_11, %div3A_19 : vector<512x512xf32>
    %convert_element_type3A = arith.truncf %mul3A : vector<512x512xf32> to vector<512x512xbf16>
    %convert_element_type3A_20 = arith.truncf %dot_general3A_13 : vector<512x512xf32> to vector<512x512xbf16>
    %mul3A_21 = arith.mulf %convert_element_type3A, %convert_element_type3A_20 : vector<512x512xbf16>
    %dot_general3A_22 = arith.constant dense<0.000000e+00> : vector<512x1024xf32>
    %dot_general3A_23 = tpu.matmul %mul3A_21, %get3A_10, %dot_general3A_22 {dimension_numbers = #tpu.dot_dimension_numbers<[1], [0], [0], [1], [0, 0, 1, 1], [], []>, transpose_lhs_hint = false} : vector<512x512xbf16>, vector<512x1024xbf16>, vector<512x1024xf32> -> vector<512x1024xf32>
    %get3A_24 = arith.constant 0 : index
    %get3A_25 = arith.constant 0 : index
    %get3A_26 = vector.load %arg7[%get3A_24, %get3A_25] : memref<512x1xf32, #tpu.memory_space<vmem>>, vector<512x1xf32>
    %get3A_27 = arith.constant 0 : index
    %get3A_28 = arith.constant 0 : index
    %get3A_29 = vector.load %arg1[%get3A_27, %get3A_28] : memref<512x1024xf32, #tpu.memory_space<vmem>>, vector<512x1024xf32>
    %mul3A_30 = vector.broadcast %get3A_26 : vector<512x1xf32> to vector<512x1024xf32>
    %mul3A_31 = arith.mulf %mul3A_30, %get3A_29 : vector<512x1024xf32>
    %get3A_32 = arith.constant 0 : index
    %get3A_33 = arith.constant 0 : index
    %get3A_34 = vector.load %arg8[%get3A_32, %get3A_33] : memref<512x1xf32, #tpu.memory_space<vmem>>, vector<512x1xf32>
    %get3A_35 = arith.constant 0 : index
    %get3A_36 = arith.constant 0 : index
    %get3A_37 = vector.load %arg2[%get3A_35, %get3A_36] : memref<512x1024xf32, #tpu.memory_space<vmem>>, vector<512x1024xf32>
    %mul3A_38 = vector.broadcast %get3A_34 : vector<512x1xf32> to vector<512x1024xf32>
    %mul3A_39 = arith.mulf %mul3A_38, %get3A_37 : vector<512x1024xf32>
    %add3A_40 = arith.addf %mul3A_31, %mul3A_39 : vector<512x1024xf32>
    %add3A_41 = arith.addf %add3A_40, %dot_general3A_23 : vector<512x1024xf32>
    %swap3A = arith.constant 0 : index
    %swap3A_42 = arith.constant 0 : index
    %swap3A_43 = vector.load %arg9[%swap3A, %swap3A_42] : memref<512x1024xf32, #tpu.memory_space<vmem>>, vector<512x1024xf32>
    tpu.vector_store %arg9[%swap3A, %swap3A_42], %add3A_41 {strides = array<i32>} : memref<512x1024xf32, #tpu.memory_space<vmem>>, vector<512x1024xf32>,
    return
  }
  func.func @transform_0(%arg0: i32) -> (i32, i32) {
    %c0_i32 = arith.constant 0 : i32
    %c0_i32_0 = arith.constant 0 : i32
    return %arg0, %c0_i32 : i32, i32
  }
  func.func @transform_1(%arg0: i32) -> (i32, i32) {
    %c0_i32 = arith.constant 0 : i32
    %c0_i32_0 = arith.constant 0 : i32
    return %arg0, %c0_i32 : i32, i32
  }
  func.func @transform_2(%arg0: i32) -> (i32, i32) {
    %c0_i32 = arith.constant 0 : i32
    %c0_i32_0 = arith.constant 0 : i32
    return %arg0, %c0_i32 : i32, i32
  }
  func.func @transform_3(%arg0: i32) -> (i32, i32) {
    %c0_i32 = arith.constant 0 : i32
    %c0_i32_0 = arith.constant 0 : i32
    %c0_i32_1 = arith.constant 0 : i32
    return %c0_i32, %c0_i32_0 : i32, i32
  }
  func.func @transform_4(%arg0: i32) -> (i32, i32) {
    %c0_i32 = arith.constant 0 : i32
    %c0_i32_0 = arith.constant 0 : i32
    %c0_i32_1 = arith.constant 0 : i32
    return %c0_i32, %c0_i32_0 : i32, i32
  }
  func.func @transform_5(%arg0: i32) -> (i32, i32) {
    %c0_i32 = arith.constant 0 : i32
    %c0_i32_0 = arith.constant 0 : i32
    %c0_i32_1 = arith.constant 0 : i32
    return %c0_i32, %c0_i32_0 : i32, i32
  }
  func.func @transform_6(%arg0: i32) -> (i32, i32) {
    %c0_i32 = arith.constant 0 : i32
    %c0_i32_0 = arith.constant 0 : i32
    return %arg0, %c0_i32 : i32, i32
  }
  func.func @transform_7(%arg0: i32) -> (i32, i32) {
    %c0_i32 = arith.constant 0 : i32
    %c0_i32_0 = arith.constant 0 : i32
    return %arg0, %c0_i32 : i32, i32
  }
  func.func @transform_8(%arg0: i32) -> (i32, i32) {
    %c0_i32 = arith.constant 0 : i32
    %c0_i32_0 = arith.constant 0 : i32
    return %arg0, %c0_i32 : i32, i32
  }
}

</mosaic_0001>

<sc_bundles>
// kernel: kernel.10.cloned.1.call-start
scs
__scs_entry_jumppad:
0x0: {  	(pc) =	sbr.rel $0x88, $3  }
0x1: {  	(tag) =	ssettag $0x0;
	lr =	simm.s32 $0x1  }
0x2: {  	[smem:$0x3F99] =	sst lr;
	_ =	strace $0xD0000000  }
0x3: {  	_ = 	snop  }
0x4: {  	_ = 	snop  }
0x5: {  	_ = 	snop  }
0x6: {  	_ = 	snop  }
0x7: {  	_ = 	snop  }
__scs_overlays_trampoline_lowered:
0x8: {  	[smem:$0x3FA8] =	sst s0  }
0x9: {  	[smem:$0x3FA9] =	sst s1  }
0xa: {  	[smem:$0x3FAA] =	sst s2  }
0xb: {  	[smem:$0x3FAB] =	sst s3  }
0xc: {  	[smem:$0x3FAC] =	sst s4  }
0xd: {  	[smem:$0x3FAD] =	sst s5  }
0xe: {  	[smem:$0x3FAE] =	sst s6  }
0xf: {  	[smem:$0x3FAF] =	sst s7  }
0x10: {  	[smem:$0x3FB0] =	sst s8  }
0x11: {  	[smem:$0x3FB1] =	sst s9;
	s0 =	simm.s32 @!p0 $0x0  }
0x12: {  	s1 =	sld [smem:$0x3F97];
	s0 =	simm.s32 @p0 $0x1  }
0x13: {  	[smem:$0x3FB2] =	sst s0;
	s0 =	simm.s32 @!p1 $0x0  }
0x14: {  	s2 =	sld [smem:$0x3F96];
	s0 =	simm.s32 @p1 $0x1  }
0x15: {  	[smem:$0x3FB3] =	sst s0;
	s0 =	simm.s32 @!p2 $0x0  }
0x16: {  	s3 =	sld [smem:$0x3FDB];
	s0 =	simm.s32 @p2 $0x1  }
0x17: {  	s4 =	simm.s32 $0x1BF5;
	[smem:$0x3FB5] =	sst s0  }
0x18: {  	s0 =	sld [smem:$0x3F98];
	_ =	swait.ge [sflag:s4], $0x0  }
0x19: {  	s7 =	sld [smem:$0x3F99]  }
0x1a: {  	s8 =	sadd.s32 $0xFFFFE003, lr  }
0x1b: {  	s9 =	sadd.s32 $0xFFFFFEF7, lr;
	s5 =	simm.s32 $0xFFFFFFFF;
	p2 =	slt.u32 s8, $0xFFFFF086  }
0x1c: {  	p1 =	slt.u32 s9, $0xF7A;
	s5 =	simm.s32 @!p2 $0x0  }
0x1d: {  	s5 =	simm.s32 @p1 $0x1;
	p0 =	seq.s32 s7, s2  }
0x1e: {  	s7 =	smul.u32 @!p0 $0xF7A, s2;
	p2 =	seq.s32 @!p0 s5, $0x0  }
0x1f: {  	s9 =	smul.u32 $0xF7A, s1;
	s8 =	simm.s32 @!p0 $0x1BF5;
	p2 =	por !p2, p0  }
0x20: {  	[sflag:s8] =	ssyncset.s32 @!p0 $0xFFFFF086;
	s6 =	sadd.s32 @!p0 s3, s7;
	s7 =	simm.s32 @!p0 $0x108  }
0x21: {  	s3 =	sadd.s32 s3, s9;
	s6 =	sadd.s32 @!p0 $0x88, s6;
	s7 =	simm.s32 @p2 $0x1082  }
0x22: {  	[simem:s7], [sflag:s8] =	dma.local @!p0 [hbm:s6], $0xF7A  }
0x23: {  	s9 =	sor.u32 $0xD0000000, s2;
	s6 =	simm.s32 $0x108;
	_ =	swait.ge @!p0 [sflag:s8], $0x0  }
0x24: {  	s3 =	sadd.s32 $0x88, s3;
	s6 =	simm.s32 @!p1 $0x1082;
	[sflag:s4] =	ssyncset.s32 $0xFFFFF086  }
0x25: {  	[simem:s6], [sflag:s4] =	dma.local [hbm:s3], $0xF7A  }
0x26: {  	[smem:$0x3F99] =	sst s1;
	(tag) =	ssettag s2;
	_ =	strace s9  }
0x27: {  	s1 =	sld [smem:$0x3FA9]  }
0x28: {  	s2 =	sld [smem:$0x3FAA]  }
0x29: {  	s4 =	sld [smem:$0x3FAC]  }
0x2a: {  	p0 =	seq.s32 s5, $0x0;
	s5 =	sld [smem:$0x3FAD]  }
0x2b: {  	s6 =	sld [smem:$0x3FAE]  }
0x2c: {  	s7 =	sld [smem:$0x3FAF]  }
0x2d: {  	s3 =	simm.s32 $0x108;
	s8 =	sld [smem:$0x3FB0]  }
0x2e: {  	s3 =	simm.s32 @!p0 $0x1082;
	s9 =	sld [smem:$0x3FB1]  }
0x2f: {  	lr =	sadd.s32 s0, s3;
	s0 =	sld [smem:$0x3FA8]  }
0x30: {  	s3 =	sld [smem:$0x3FAB]  }
0x31: {  	[smem:$0x3FB4] =	sst s10  }
0x32: {  	s10 =	sld [smem:$0x3FB2];
	_ =	sdelay $0x3  }
0x33: {  	p0 =	seq.s32 s10, $0x1;
	s10 =	sld [smem:$0x3FB4];
	_ =	sdelay $0x3  }
0x34: {  	[smem:$0x3FB4] =	sst s10  }
0x35: {  	s10 =	sld [smem:$0x3FB3];
	_ =	sdelay $0x3  }
0x36: {  	p1 =	seq.s32 s10, $0x1;
	s10 =	sld [smem:$0x3FB4];
	_ =	sdelay $0x3  }
0x37: {  	[smem:$0x3FB4] =	sst s10  }
0x38: {  	s10 =	sld [smem:$0x3FB5]  }
0x39: {  	_ = 	snop;
	(pc) =	sbr.ind lr, $3  }
0x3a: {  	_ = 	snop  }
0x3b: {  	_ = 	snop  }
0x3c: {  	p2 =	seq.s32 s10, $0x1;
	s10 =	sld [smem:$0x3FB4]  }
0x3d: {  	_ =	shalt  }
0x3e: {  	_ =	shalt  }
0x3f: {  	_ =	shalt  }
0x40: {  	_ =	shalt  }
0x41: {  	_ =	shalt  }
0x42: {  	_ =	shalt  }
0x43: {  	_ =	shalt  }
0x44: {  	_ =	shalt  }
0x45: {  	_ =	shalt  }
0x46: {  	_ =	shalt  }
0x47: {  	_ =	shalt  }
0x48: {  	_ =	shalt  }
0x49: {  	_ =	shalt  }
0x4a: {  	_ =	shalt  }
0x4b: {  	_ =	shalt  }
0x4c: {  	_ =	shalt  }
0x4d: {  	_ =	shalt  }
0x4e: {  	_ =	shalt  }
0x4f: {  	_ =	shalt  }
0x50: {  	_ =	shalt  }
0x51: {  	_ =	shalt  }
0x52: {  	_ =	shalt  }
0x53: {  	_ =	shalt  }
0x54: {  	_ =	shalt  }
0x55: {  	_ =	shalt  }
0x56: {  	_ =	shalt  }
0x57: {  	_ =	shalt  }
0x58: {  	_ =	shalt  }
0x59: {  	_ =	shalt  }
0x5a: {  	_ =	shalt  }
0x5b: {  	_ =	shalt  }
0x5c: {  	_ =	shalt  }
0x5d: {  	_ =	shalt  }
0x5e: {  	_ =	shalt  }
0x5f: {  	_ =	shalt  }
0x60: {  	_ =	shalt  }
0x61: {  	_ =	shalt  }
0x62: {  	_ =	shalt  }
0x63: {  	_ =	shalt  }
0x64: {  	_ =	shalt  }
0x65: {  	_ =	shalt  }
0x66: {  	_ =	shalt  }
0x67: {  	_ =	shalt  }
0x68: {  	_ =	shalt  }
0x69: {  	_ =	shalt  }
0x6a: {  	_ =	shalt  }
0x6b: {  	_ =	shalt  }
0x6c: {  	_ =	shalt  }
0x6d: {  	_ =	shalt  }
0x6e: {  	_ =	shalt  }
0x6f: {  	_ =	shalt  }
0x70: {  	_ =	shalt  }
0x71: {  	_ =	shalt  }
0x72: {  	_ =	shalt  }
0x73: {  	_ =	shalt  }
0x74: {  	_ =	shalt  }
0x75: {  	_ =	shalt  }
0x76: {  	_ =	shalt  }
0x77: {  	_ =	shalt  }
0x78: {  	_ =	shalt  }
0x79: {  	_ =	shalt  }
0x7a: {  	_ =	shalt  }
0x7b: {  	_ =	shalt  }
0x7c: {  	_ =	shalt  }
0x7d: {  	_ =	shalt  }
0x7e: {  	_ =	shalt  }
0x7f: {  	_ =	shalt  }
0x80: {  	_ =	shalt  }
0x81: {  	_ =	shalt  }
0x82: {  	_ =	shalt  }
0x83: {  	_ =	shalt  }
0x84: {  	_ =	shalt  }
0x85: {  	_ =	shalt  }
0x86: {  	_ =	shalt  }
0x87: {  	_ =	shalt  }
.Lfunc_end0:
.L_simem_size_0:
called_computation.1_lowered:
.L_overlay_start_0:
0x88: {  	s2 =	sld [smem:$0x3FD9]  }
0x89: {  	s3 =	sld [smem:$0x3FFE];
	_ =	sdelay $0x1  }
0x8a: {  	s1 =	srdreg.scid  }
0x8b: {  	s0 =	sand.u32 $0x1, s1  }
0x8c: {  	s17 =	sshll.u32 s0, $0xA;
	s2 =	sadd.s32 s3, s2  }
0x8d: {  	s2 =	sadd.s32 s2, s17  }
0x8e: {  	[smem:$0x3FC0] =	sst s2  }
0x8f: {  	_ = 	snop  }
0x90: {  	s2 =	sld [smem:$0x3FD0];
	(tm) =	ssettm $0x1  }
0x91: {  	s18 =	sld [smem:$0x3FFB];
	_ =	sdelay $0x3  }
0x92: {  	_ =	strace s18  }
0x93: {  	s3 =	sld [smem:$0x3FFC];
	_ =	sdelay $0x3  }
0x94: {  	_ =	strace s3  }
0x95: {  	s3 =	sld [smem:$0x3FFD];
	_ =	sdelay $0x3  }
0x96: {  	_ =	strace s3  }
0x97: {  	_ =	strace $0x8FFFFFFF  }
0x98: {  	s19 =	sld [smem:$0x3FDB];
	_ =	sdelay $0x1  }
0x99: {  	s4 =	simm.s32 $_scs_section_size  }
0x9a: {  	s5 =	simm.s32 $_size__tile_overlayer_lowered;
	s6 =	simm.s32 $_tile_overlayer_lowered  }
0x9b: {  	s22 =	simm.s32 $0x1BFF;
	s21 =	sshll.u32 s6, $0x1;
	s3 =	sadd.s32 s4, s19  }
0x9c: {  	s7 =	simm.s32 $0x0;
	s20 =	sshll.u32 s5, $0x1;
	s5 =	sadd.s32 s21, s3  }
0x9d: {  	[timem:s7], [sflag:s22] =	dma.local [hbm:s5], s20  }
0x9e: {  	_ =	swait.ge [sflag:s22], s20  }
0x9f: {  	s4 =	ssub.s32 $0x0, s20;
	[sflag:s22] =	ssyncset.done $0x0  }
0xa0: {  	[sflag:s22] =	ssyncadd.s32 s4;
	_ =	sdelay $0x1  }
0xa1: {  	s23 =	simm.s32 $0x1B8B  }
0xa2: {  	_ =	swait.ge [sflag:s23], $0x1  }
0xa3: {  	[sflag:s23] =	ssyncset.done $0x0  }
0xa4: {  	s25 =	simm.s32 $0x1B8E;
	s24 =	sld [smem:$0x3FFE];
	[sflag:s23] =	ssyncadd.s32 $0xFFFFFFFF  }
0xa5: {  	s26 =	simm.s32 $execute0_lowered;
	[smem:$0x3FD2] =	sst s25  }
0xa6: {  	s5 =	sshll.u32 s26, $0x1;
	_ =	strace $0x80000049;
	[dreg:$0x1] =	wrdreg $0xFFFFFFFF  }
0xa7: {  	s28 =	simm.s32 $_size_execute0_lowered;
	s3 =	sadd.s32 s3, s5;
	[dreg:$0x0] =	wrdreg $0x0  }
0xa8: {  	s5 =	sshll.u32 s28, $0x1;
	[dreg:$0x2] =	wrdreg s3  }
0xa9: {  	[dreg:$0x3] =	wrdreg s5  }
0xaa: {  	[dreg:$0x4] =	wrdreg $0xC0  }
0xab: {  	_ =	task [dreg:s7], $0x5FFFF  }
0xac: {  	[dreg:$0x1] =	wrdreg $0xFFFFFFFF  }
0xad: {  	[dreg:$0x0] =	wrdreg $0x60  }
0xae: {  	[dreg:$0x2] =	wrdreg s24  }
0xaf: {  	[dreg:$0x3] =	wrdreg s2  }
0xb0: {  	[dreg:$0x4] =	wrdreg $0x9  }
0xb1: {  	_ =	task.clear_ibuf [dreg:s7], $0x5FFFF;
	_ =	strace $0x90000049  }
0xb2: {  	s29 =	simm.s32 $0x9;
	_ =	strace $0x8000004B  }
0xb3: {  	_ =	swait.ge [sflag:s29], $0x1  }
0xb4: {  	[sflag:s29] =	ssyncadd.s32 $0xFFFFFFFF  }
0xb5: {  	_ =	strace $0x9000004B  }
0xb6: {  	_ =	sfence  }
0xb7: {  	s30 =	sld [smem:$0x0];
	_ =	sdelay $0x2  }
0xb8: {  	s31 =	sshll.u32 s1, $0xD;
	s1 =	sshrl.u32 s1, $0x2  }
0xb9: {  	s3 =	sand.u32 $0x4000, s31;
	s1 =	sadd.s32 s1, s30  }
0xba: {  	s0 =	sor.u32 s3, s0;
	s1 =	sshll.u32 s1, $0x11  }
0xbb: {  	s0 =	sor.u32 s1, s0  }
0xbc: {  	s0 =	sadd.s32 $0x8F2B, s0  }
0xbd: {  	[sflag:s0] =	ssyncadd.remote.s32 $0x1  }
0xbe: {  	_ =	sfence.sel $0xFFFF  }
0xbf: {  	[dreg:$0x0] =	wrdreg $0xFFFFFFFF;
	(pc) =	sbr.abs _section_cstart, $3  }
0xc0: {  	[dreg:$0x1] =	wrdreg $0xFFFFFFFF  }
0xc1: {  	_ =	task.clear_ibuf [dreg:s7], $0x2FFFF;
	_ =	strace $0x9FFFFFFF  }
0xc2: {  	(tm) =	ssettm $0x7FFFFFFF  }
0xc3: {  	_ =	shalt  }
tec
execute0_lowered:
.L_overlay_start_1:
0x0: {  	(tag) =	ssettag $0x1  }
0x1: {  	s0 =	rddreg [dreg:$0x0]  }
0x2: {  	s1 =	rddreg [dreg:$0x1]  }
0x3: {  	s3 =	srdreg.scid;
	s4 =	stileid.u32  }
0x4: {  	s2 =	simm.s32 $0x0;
	s26 =	simm.s32 $0x100;
	s18 =	simm.s32 $0x1  }
0x5: {  	s19 =	simm.s32 $0x2;
	s28 =	simm.s32 $0x3200;
	s29 =	simm.s32 $0x3A00  }
0x6: {  	s30 =	simm.s32 $0x4200;
	s31 =	simm.s32 $0x4A00;
	s11 =	simm.s32 $0x6A00  }
0x7: {  	s12 =	simm.s32 $0x7200;
	s13 =	simm.s32 $0x7A00;
	s14 =	simm.s32 $0x8A00  }
0x8: {  	s15 =	simm.s32 $0x9200;
	s16 =	simm.s32 $0x9A00;
	s17 =	simm.s32 $0xA200  }
0x9: {  	s3 =	sand.u32 $0x1, s3;
	s4 =	sshll.u32 s4, $0x1;
	[smem:$0x7FF] =	sst s2  }
0xa: {  	s8 =	sadd.s32 $0x2200, s0;
	s4 =	sor.u32 s3, s4;
	_ =	strace $0x8000004A  }
0xb: {  	s6 =	ssub.s32 $0x2, s3;
	s3 =	sadd.s32 $0xC3200, s0;
	[dreg:$0x9] =	wrdreg s26  }
0xc: {  	s26 =	simm.s32 $0x2A00;
	s5 =	sshll.u32 s4, $0x5;
	s7 =	sshrl.u32 s6, $0x1  }
0xd: {  	s23 =	sshll.u32 s4, $0xD;
	s4 =	sadd.s32 $0xC3300, s0;
	s5 =	sadd.s32 s5, s0  }
0xe: {  	s7 =	ssub.s32 s6, s7;
	s24 =	sadd.s32 s1, s23;
	s9 =	sadd.s32 s8, s23  }
0xf: {  	s10 =	sor.u32 $0x1000, s23;
	s6 =	sadd.s32 $0xC3500, s0;
	s23 =	simm.s32 $0x1A00  }
0x10: {  	s22 =	sadd.s32 $0xC2A00, s5;
	s5 =	sadd.s32 $0xC2E00, s5;
	[dreg:$0x5] =	wrdreg s24  }
0x11: {  	[dreg:$0x6] =	wrdreg s9;
	s1 =	sadd.s32 s1, s10;
	s25 =	sadd.s32 s8, s10  }
0x12: {  	s7 =	smax.u32 s7, $0x1;
	s8 =	simm.s32 $0x3;
	[dreg:$0x3] =	wrdreg s22  }
0x13: {  	v2 =	vlaneseq.u32;
	s24 =	simm.s32 $0x2200;
	s10 =	simm.s32 $0x6200;
	[dreg:$0x4] =	wrdreg s5  }
0x14: {  	vm0 =	vmmov $0xffff;
	v1 =	vshrl.u32 v2, $0x3;
	s9 =	simm.s32 $0xAA00;
	s5 =	sadd.s32 $0xC3400, s0;
	[dreg:$0x7] =	wrdreg s1  }
0x15: {  	v0 =	vand.u32 $0x7, v2;
	v2 =	vor.u32 $0x8, v2;
	v1 =	vmul.u32 $0x8, v1;
	[dreg:$0x8] =	wrdreg s25;
	s25 =	simm.s32 $0x200;
	s22 =	simm.s32 $0x1200  }
.LBB2_1:
0x16: {  	s20 =	rddreg [dreg:$0x3]  }
0x17: {  	[tilespmem:s2], [sflag:$0x3] =	stream.linear.gather [hbm4b:s20+s2], $0x100, $0x38;
	[tilespmem:$0x10200] =	vst v63  }
0x18: {  	_ =	swait.ge [sflag:s8], $0x100  }
0x19: {  	s1 =	rddreg [dreg:$0x4];
	[sflag:s8] =	ssyncset.done $0x0  }
0x1a: {  	s21 =	rddreg [dreg:$0x9];
	[sflag:s8] =	ssyncadd.s32 $0xFFFFFF00  }
0x1b: {  	[tilespmem:s21], [sflag:$0x3] =	stream.linear.gather [hbm4b:s1+s2], $0x100, $0x38;
	[tilespmem:$0x10200] =	vst v63  }
0x1c: {  	_ =	swait.ge [sflag:s8], $0x100  }
0x1d: {  	[sflag:s8] =	ssyncset.done $0x0  }
0x1e: {  	[sflag:s8] =	ssyncadd.s32 $0xFFFFFF00  }
0x1f: {  	v3 =	vld [tilespmem:$0x0];
	_ =	sdelay $0x4  }
0x20: {  	v4 =	vshll.u32 v3, $0x3  }
0x21: {  	v3 =	vand.u32 $0x7, v3;
	v4 =	vand.u32 $0xFFFFFFC0, v4  }
0x22: {  	v3 =	vor.u32 v3, v4  }
0x23: {  	v4 =	vperm.xlane v3, v0;
	_ =	sdelay $0x1  }
0x24: {  	v4 =	vadd.s32 v1, v4;
	_ =	sdelay $0x4  }
0x25: {  	[tilespmem:s25], [sflag:$0x1] =	stream.indirect_vreg.gather [hbm4b:s3+s2], $0x80, v4, vm0, $0xb8;
	[tilespmem:$0x10200] =	vst v63  }
0x26: {  	s21 =	simm.s32 $0xA00;
	v3 =	vperm.xlane v3, v2  }
0x27: {  	[tilespmem:s21], [sflag:$0x1] =	stream.indirect_vreg.gather [hbm4b:s4+s2], $0x80, v4, vm0, $0xb8;
	[tilespmem:$0x10200] =	vst v63  }
0x28: {  	v3 =	vadd.s32 v1, v3  }
0x29: {  	[tilespmem:s22], [sflag:$0x1] =	stream.indirect_vreg.gather [hbm4b:s5+s2], $0x80, v4, vm0, $0xb8;
	[tilespmem:$0x10200] =	vst v63  }
0x2a: {  	_ = 	snop  }
0x2b: {  	[tilespmem:s23], [sflag:$0x1] =	stream.indirect_vreg.gather [hbm4b:s6+s2], $0x80, v4, vm0, $0xb8;
	[tilespmem:$0x10200] =	vst v63  }
0x2c: {  	_ = 	snop  }
0x2d: {  	[tilespmem:s24], [sflag:$0x1] =	stream.indirect_vreg.gather [hbm4b:s3+s2], $0x80, v3, vm0, $0xb8;
	[tilespmem:$0x10200] =	vst v63  }
0x2e: {  	_ = 	snop  }
0x2f: {  	[tilespmem:s26], [sflag:$0x1] =	stream.indirect_vreg.gather [hbm4b:s4+s2], $0x80, v3, vm0, $0xb8;
	[tilespmem:$0x10200] =	vst v63  }
0x30: {  	_ = 	snop  }
0x31: {  	[tilespmem:s28], [sflag:$0x1] =	stream.indirect_vreg.gather [hbm4b:s5+s2], $0x80, v3, vm0, $0xb8;
	[tilespmem:$0x10200] =	vst v63  }
0x32: {  	_ = 	snop  }
0x33: {  	[tilespmem:s29], [sflag:$0x1] =	stream.indirect_vreg.gather [hbm4b:s6+s2], $0x80, v3, vm0, $0xb8;
	[tilespmem:$0x10200] =	vst v63  }
0x34: {  	v3 =	vld [tilespmem:$0x10];
	_ =	sdelay $0x4  }
0x35: {  	v57 =	vshll.u32 v3, $0x3  }
0x36: {  	v3 =	vand.u32 $0x7, v3;
	v4 =	vand.u32 $0xFFFFFFC0, v57  }
0x37: {  	v3 =	vor.u32 v3, v4  }
0x38: {  	v4 =	vperm.xlane v3, v0;
	_ =	sdelay $0x1  }
0x39: {  	v4 =	vadd.s32 v1, v4;
	_ =	sdelay $0x4  }
0x3a: {  	[tilespmem:s30], [sflag:$0x1] =	stream.indirect_vreg.gather [hbm4b:s3+s2], $0x80, v4, vm0, $0xb8;
	[tilespmem:$0x10200] =	vst v63  }
0x3b: {  	v3 =	vperm.xlane v3, v2  }
0x3c: {  	[tilespmem:s31], [sflag:$0x1] =	stream.indirect_vreg.gather [hbm4b:s4+s2], $0x80, v4, vm0, $0xb8;
	[tilespmem:$0x10200] =	vst v63  }
0x3d: {  	s0 =	simm.s32 $0x5200;
	v3 =	vadd.s32 v1, v3  }
0x3e: {  	[tilespmem:s0], [sflag:$0x1] =	stream.indirect_vreg.gather [hbm4b:s5+s2], $0x80, v4, vm0, $0xb8;
	[tilespmem:$0x10200] =	vst v63  }
0x3f: {  	s1 =	simm.s32 $0x5A00  }
0x40: {  	[tilespmem:s1], [sflag:$0x1] =	stream.indirect_vreg.gather [hbm4b:s6+s2], $0x80, v4, vm0, $0xb8;
	[tilespmem:$0x10200] =	vst v63  }
0x41: {  	_ = 	snop  }
0x42: {  	[tilespmem:s10], [sflag:$0x1] =	stream.indirect_vreg.gather [hbm4b:s3+s2], $0x80, v3, vm0, $0xb8;
	[tilespmem:$0x10200] =	vst v63  }
0x43: {  	_ = 	snop  }
0x44: {  	[tilespmem:s11], [sflag:$0x1] =	stream.indirect_vreg.gather [hbm4b:s4+s2], $0x80, v3, vm0, $0xb8;
	[tilespmem:$0x10200] =	vst v63  }
0x45: {  	_ = 	snop  }
0x46: {  	[tilespmem:s12], [sflag:$0x1] =	stream.indirect_vreg.gather [hbm4b:s5+s2], $0x80, v3, vm0, $0xb8;
	[tilespmem:$0x10200] =	vst v63  }
0x47: {  	_ = 	snop  }
0x48: {  	[tilespmem:s13], [sflag:$0x1] =	stream.indirect_vreg.gather [hbm4b:s6+s2], $0x80, v3, vm0, $0xb8;
	[tilespmem:$0x10200] =	vst v63  }
0x49: {  	v3 =	vld [tilespmem:$0x100];
	_ =	sdelay $0x4  }
0x4a: {  	v58 =	vshll.u32 v3, $0x3  }
0x4b: {  	v3 =	vand.u32 $0x7, v3;
	v4 =	vand.u32 $0xFFFFFFC0, v58  }
0x4c: {  	v3 =	vor.u32 v3, v4  }
0x4d: {  	v4 =	vperm.xlane v3, v0;
	_ =	sdelay $0x1  }
0x4e: {  	v4 =	vadd.s32 v1, v4;
	_ =	sdelay $0x3  }
0x4f: {  	s0 =	simm.s32 $0x8200  }
0x50: {  	[tilespmem:s0], [sflag:$0x2] =	stream.indirect_vreg.gather [hbm4b:s3+s2], $0x80, v4, vm0, $0xb8;
	[tilespmem:$0x10200] =	vst v63  }
0x51: {  	v3 =	vperm.xlane v3, v2  }
0x52: {  	[tilespmem:s14], [sflag:$0x2] =	stream.indirect_vreg.gather [hbm4b:s4+s2], $0x80, v4, vm0, $0xb8;
	[tilespmem:$0x10200] =	vst v63  }
0x53: {  	v3 =	vadd.s32 v1, v3  }
0x54: {  	[tilespmem:s15], [sflag:$0x2] =	stream.indirect_vreg.gather [hbm4b:s5+s2], $0x80, v4, vm0, $0xb8;
	[tilespmem:$0x10200] =	vst v63  }
0x55: {  	_ = 	snop  }
0x56: {  	[tilespmem:s16], [sflag:$0x2] =	stream.indirect_vreg.gather [hbm4b:s6+s2], $0x80, v4, vm0, $0xb8;
	[tilespmem:$0x10200] =	vst v63  }
0x57: {  	_ = 	snop  }
0x58: {  	[tilespmem:s17], [sflag:$0x2] =	stream.indirect_vreg.gather [hbm4b:s3+s2], $0x80, v3, vm0, $0xb8;
	[tilespmem:$0x10200] =	vst v63  }
0x59: {  	_ = 	snop  }
0x5a: {  	[tilespmem:s9], [sflag:$0x2] =	stream.indirect_vreg.gather [hbm4b:s4+s2], $0x80, v3, vm0, $0xb8;
	[tilespmem:$0x10200] =	vst v63  }
0x5b: {  	s20 =	simm.s32 $0xB200  }
0x5c: {  	[tilespmem:s20], [sflag:$0x2] =	stream.indirect_vreg.gather [hbm4b:s5+s2], $0x80, v3, vm0, $0xb8;
	[tilespmem:$0x10200] =	vst v63  }
0x5d: {  	s20 =	simm.s32 $0xBA00  }
0x5e: {  	[tilespmem:s20], [sflag:$0x2] =	stream.indirect_vreg.gather [hbm4b:s6+s2], $0x80, v3, vm0, $0xb8;
	[tilespmem:$0x10200] =	vst v63  }
0x5f: {  	v3 =	vld [tilespmem:$0x110];
	_ =	sdelay $0x4  }
0x60: {  	v59 =	vshll.u32 v3, $0x3  }
0x61: {  	v3 =	vand.u32 $0x7, v3;
	v4 =	vand.u32 $0xFFFFFFC0, v59  }
0x62: {  	v3 =	vor.u32 v3, v4  }
0x63: {  	v4 =	vperm.xlane v3, v0;
	_ =	sdelay $0x1  }
0x64: {  	v4 =	vadd.s32 v1, v4;
	_ =	sdelay $0x3  }
0x65: {  	s20 =	simm.s32 $0xC200  }
0x66: {  	[tilespmem:s20], [sflag:$0x2] =	stream.indirect_vreg.gather [hbm4b:s3+s2], $0x80, v4, vm0, $0xb8;
	[tilespmem:$0x10200] =	vst v63  }
0x67: {  	v3 =	vperm.xlane v3, v2;
	s20 =	simm.s32 $0xCA00  }
0x68: {  	[tilespmem:s20], [sflag:$0x2] =	stream.indirect_vreg.gather [hbm4b:s4+s2], $0x80, v4, vm0, $0xb8;
	[tilespmem:$0x10200] =	vst v63  }
0x69: {  	v3 =	vadd.s32 v1, v3;
	s20 =	simm.s32 $0xD200  }
0x6a: {  	[tilespmem:s20], [sflag:$0x2] =	stream.indirect_vreg.gather [hbm4b:s5+s2], $0x80, v4, vm0, $0xb8;
	[tilespmem:$0x10200] =	vst v63  }
0x6b: {  	s20 =	simm.s32 $0xDA00  }
0x6c: {  	[tilespmem:s20], [sflag:$0x2] =	stream.indirect_vreg.gather [hbm4b:s6+s2], $0x80, v4, vm0, $0xb8;
	[tilespmem:$0x10200] =	vst v63  }
0x6d: {  	s20 =	simm.s32 $0xE200  }
0x6e: {  	[tilespmem:s20], [sflag:$0x2] =	stream.indirect_vreg.gather [hbm4b:s3+s2], $0x80, v3, vm0, $0xb8;
	[tilespmem:$0x10200] =	vst v63  }
0x6f: {  	s20 =	simm.s32 $0xEA00  }
0x70: {  	[tilespmem:s20], [sflag:$0x2] =	stream.indirect_vreg.gather [hbm4b:s4+s2], $0x80, v3, vm0, $0xb8;
	[tilespmem:$0x10200] =	vst v63  }
0x71: {  	s20 =	simm.s32 $0xF200  }
0x72: {  	[tilespmem:s20], [sflag:$0x2] =	stream.indirect_vreg.gather [hbm4b:s5+s2], $0x80, v3, vm0, $0xb8;
	[tilespmem:$0x10200] =	vst v63  }
0x73: {  	s20 =	simm.s32 $0xFA00  }
0x74: {  	[tilespmem:s20], [sflag:$0x2] =	stream.indirect_vreg.gather [hbm4b:s6+s2], $0x80, v3, vm0, $0xb8;
	[tilespmem:$0x10200] =	vst v63  }
0x75: {  	_ =	swait.ge [sflag:s18], $0x8000  }
0x76: {  	[sflag:s18] =	ssyncset.done $0x0  }
0x77: {  	[sflag:s18] =	ssyncadd.s32 $0xFFFF8000  }
0x78: {  	_ =	swait.ge [sflag:s19], $0x8000  }
0x79: {  	[sflag:s19] =	ssyncset.done $0x0  }
0x7a: {  	s20 =	rddreg [dreg:$0x5];
	[sflag:s19] =	ssyncadd.s32 $0xFFFF8000  }
0x7b: {  	[hbm4b:s20+s2] =	stream.linear.scatter [tilespmem:s25], [sflag:$0x3], $0x8000, $0x38;
	[tilespmem:$0x10200] =	vst v63  }
0x7c: {  	_ =	swait.ge [sflag:s8], $0x8000  }
0x7d: {  	[sflag:s8] =	ssyncset.done $0x0  }
0x7e: {  	s20 =	rddreg [dreg:$0x6];
	[sflag:s8] =	ssyncadd.s32 $0xFFFF8000  }
0x7f: {  	[hbm4b:s20+s2] =	stream.linear.scatter [tilespmem:s0], [sflag:$0x3], $0x8000, $0x38;
	[tilespmem:$0x10200] =	vst v63  }
0x80: {  	_ =	swait.ge [sflag:s8], $0x8000  }
0x81: {  	[sflag:s8] =	ssyncset.done $0x0  }
0x82: {  	[sflag:s8] =	ssyncadd.s32 $0xFFFF8000  }
0x83: {  	v3 =	vld [tilespmem:$0x80];
	_ =	sdelay $0x4  }
0x84: {  	v60 =	vshll.u32 v3, $0x3  }
0x85: {  	v3 =	vand.u32 $0x7, v3;
	v4 =	vand.u32 $0xFFFFFFC0, v60  }
0x86: {  	v3 =	vor.u32 v3, v4  }
0x87: {  	v4 =	vperm.xlane v3, v0;
	_ =	sdelay $0x1  }
0x88: {  	v4 =	vadd.s32 v1, v4;
	_ =	sdelay $0x4  }
0x89: {  	[tilespmem:s25], [sflag:$0x1] =	stream.indirect_vreg.gather [hbm4b:s3+s2], $0x80, v4, vm0, $0xb8;
	[tilespmem:$0x10200] =	vst v63  }
0x8a: {  	v3 =	vperm.xlane v3, v2  }
0x8b: {  	[tilespmem:s21], [sflag:$0x1] =	stream.indirect_vreg.gather [hbm4b:s4+s2], $0x80, v4, vm0, $0xb8;
	[tilespmem:$0x10200] =	vst v63  }
0x8c: {  	v3 =	vadd.s32 v1, v3  }
0x8d: {  	[tilespmem:s22], [sflag:$0x1] =	stream.indirect_vreg.gather [hbm4b:s5+s2], $0x80, v4, vm0, $0xb8;
	[tilespmem:$0x10200] =	vst v63  }
0x8e: {  	_ = 	snop  }
0x8f: {  	[tilespmem:s23], [sflag:$0x1] =	stream.indirect_vreg.gather [hbm4b:s6+s2], $0x80, v4, vm0, $0xb8;
	[tilespmem:$0x10200] =	vst v63  }
0x90: {  	_ = 	snop  }
0x91: {  	[tilespmem:s24], [sflag:$0x1] =	stream.indirect_vreg.gather [hbm4b:s3+s2], $0x80, v3, vm0, $0xb8;
	[tilespmem:$0x10200] =	vst v63  }
0x92: {  	_ = 	snop  }
0x93: {  	[tilespmem:s26], [sflag:$0x1] =	stream.indirect_vreg.gather [hbm4b:s4+s2], $0x80, v3, vm0, $0xb8;
	[tilespmem:$0x10200] =	vst v63  }
0x94: {  	_ = 	snop  }
0x95: {  	[tilespmem:s28], [sflag:$0x1] =	stream.indirect_vreg.gather [hbm4b:s5+s2], $0x80, v3, vm0, $0xb8;
	[tilespmem:$0x10200] =	vst v63  }
0x96: {  	_ = 	snop  }
0x97: {  	[tilespmem:s29], [sflag:$0x1] =	stream.indirect_vreg.gather [hbm4b:s6+s2], $0x80, v3, vm0, $0xb8;
	[tilespmem:$0x10200] =	vst v63  }
0x98: {  	v3 =	vld [tilespmem:$0x90];
	_ =	sdelay $0x4  }
0x99: {  	v61 =	vshll.u32 v3, $0x3  }
0x9a: {  	v3 =	vand.u32 $0x7, v3;
	v4 =	vand.u32 $0xFFFFFFC0, v61  }
0x9b: {  	v3 =	vor.u32 v3, v4  }
0x9c: {  	v4 =	vperm.xlane v3, v0;
	_ =	sdelay $0x1  }
0x9d: {  	v4 =	vadd.s32 v1, v4;
	_ =	sdelay $0x4  }
0x9e: {  	[tilespmem:s30], [sflag:$0x1] =	stream.indirect_vreg.gather [hbm4b:s3+s2], $0x80, v4, vm0, $0xb8;
	[tilespmem:$0x10200] =	vst v63  }
0x9f: {  	v3 =	vperm.xlane v3, v2  }
0xa0: {  	[tilespmem:s31], [sflag:$0x1] =	stream.indirect_vreg.gather [hbm4b:s4+s2], $0x80, v4, vm0, $0xb8;
	[tilespmem:$0x10200] =	vst v63  }
0xa1: {  	s21 =	simm.s32 $0x5200;
	v3 =	vadd.s32 v1, v3  }
0xa2: {  	[tilespmem:s21], [sflag:$0x1] =	stream.indirect_vreg.gather [hbm4b:s5+s2], $0x80, v4, vm0, $0xb8;
	[tilespmem:$0x10200] =	vst v63  }
0xa3: {  	_ = 	snop  }
0xa4: {  	[tilespmem:s1], [sflag:$0x1] =	stream.indirect_vreg.gather [hbm4b:s6+s2], $0x80, v4, vm0, $0xb8;
	[tilespmem:$0x10200] =	vst v63  }
0xa5: {  	_ = 	snop  }
0xa6: {  	[tilespmem:s10], [sflag:$0x1] =	stream.indirect_vreg.gather [hbm4b:s3+s2], $0x80, v3, vm0, $0xb8;
	[tilespmem:$0x10200] =	vst v63  }
0xa7: {  	_ = 	snop  }
0xa8: {  	[tilespmem:s11], [sflag:$0x1] =	stream.indirect_vreg.gather [hbm4b:s4+s2], $0x80, v3, vm0, $0xb8;
	[tilespmem:$0x10200] =	vst v63  }
0xa9: {  	_ = 	snop  }
0xaa: {  	[tilespmem:s12], [sflag:$0x1] =	stream.indirect_vreg.gather [hbm4b:s5+s2], $0x80, v3, vm0, $0xb8;
	[tilespmem:$0x10200] =	vst v63  }
0xab: {  	_ = 	snop  }
0xac: {  	[tilespmem:s13], [sflag:$0x1] =	stream.indirect_vreg.gather [hbm4b:s6+s2], $0x80, v3, vm0, $0xb8;
	[tilespmem:$0x10200] =	vst v63  }
0xad: {  	v3 =	vld [tilespmem:$0x180];
	_ =	sdelay $0x4  }
0xae: {  	v62 =	vshll.u32 v3, $0x3  }
0xaf: {  	v3 =	vand.u32 $0x7, v3;
	v4 =	vand.u32 $0xFFFFFFC0, v62  }
0xb0: {  	v3 =	vor.u32 v3, v4  }
0xb1: {  	v4 =	vperm.xlane v3, v0;
	_ =	sdelay $0x1  }
0xb2: {  	v4 =	vadd.s32 v1, v4;
	_ =	sdelay $0x4  }
0xb3: {  	[tilespmem:s0], [sflag:$0x2] =	stream.indirect_vreg.gather [hbm4b:s3+s2], $0x80, v4, vm0, $0xb8;
	[tilespmem:$0x10200] =	vst v63  }
0xb4: {  	v3 =	vperm.xlane v3, v2  }
0xb5: {  	[tilespmem:s14], [sflag:$0x2] =	stream.indirect_vreg.gather [hbm4b:s4+s2], $0x80, v4, vm0, $0xb8;
	[tilespmem:$0x10200] =	vst v63  }
0xb6: {  	v3 =	vadd.s32 v1, v3  }
0xb7: {  	[tilespmem:s15], [sflag:$0x2] =	stream.indirect_vreg.gather [hbm4b:s5+s2], $0x80, v4, vm0, $0xb8;
	[tilespmem:$0x10200] =	vst v63  }
0xb8: {  	_ = 	snop  }
0xb9: {  	[tilespmem:s16], [sflag:$0x2] =	stream.indirect_vreg.gather [hbm4b:s6+s2], $0x80, v4, vm0, $0xb8;
	[tilespmem:$0x10200] =	vst v63  }
0xba: {  	_ = 	snop  }
0xbb: {  	[tilespmem:s17], [sflag:$0x2] =	stream.indirect_vreg.gather [hbm4b:s3+s2], $0x80, v3, vm0, $0xb8;
	[tilespmem:$0x10200] =	vst v63  }
0xbc: {  	_ = 	snop  }
0xbd: {  	[tilespmem:s9], [sflag:$0x2] =	stream.indirect_vreg.gather [hbm4b:s4+s2], $0x80, v3, vm0, $0xb8;
	[tilespmem:$0x10200] =	vst v63  }
0xbe: {  	s20 =	simm.s32 $0xB200  }
0xbf: {  	[tilespmem:s20], [sflag:$0x2] =	stream.indirect_vreg.gather [hbm4b:s5+s2], $0x80, v3, vm0, $0xb8;
	[tilespmem:$0x10200] =	vst v63  }
0xc0: {  	s21 =	simm.s32 $0xBA00  }
0xc1: {  	[tilespmem:s21], [sflag:$0x2] =	stream.indirect_vreg.gather [hbm4b:s6+s2], $0x80, v3, vm0, $0xb8;
	[tilespmem:$0x10200] =	vst v63  }
0xc2: {  	v3 =	vld [tilespmem:$0x190];
	_ =	sdelay $0x4  }
0xc3: {  	v63 =	vshll.u32 v3, $0x3  }
0xc4: {  	v3 =	vand.u32 $0x7, v3;
	v4 =	vand.u32 $0xFFFFFFC0, v63  }
0xc5: {  	v3 =	vor.u32 v3, v4  }
0xc6: {  	v4 =	vperm.xlane v3, v0;
	_ =	sdelay $0x1  }
0xc7: {  	v4 =	vadd.s32 v1, v4;
	_ =	sdelay $0x3  }
0xc8: {  	s20 =	simm.s32 $0xC200  }
0xc9: {  	[tilespmem:s20], [sflag:$0x2] =	stream.indirect_vreg.gather [hbm4b:s3+s2], $0x80, v4, vm0, $0xb8;
	[tilespmem:$0x10200] =	vst v63  }
0xca: {  	s21 =	simm.s32 $0xCA00;
	v3 =	vperm.xlane v3, v2  }
0xcb: {  	[tilespmem:s21], [sflag:$0x2] =	stream.indirect_vreg.gather [hbm4b:s4+s2], $0x80, v4, vm0, $0xb8;
	[tilespmem:$0x10200] =	vst v63  }
0xcc: {  	v3 =	vadd.s32 v1, v3;
	s20 =	simm.s32 $0xD200  }
0xcd: {  	[tilespmem:s20], [sflag:$0x2] =	stream.indirect_vreg.gather [hbm4b:s5+s2], $0x80, v4, vm0, $0xb8;
	[tilespmem:$0x10200] =	vst v63  }
0xce: {  	s21 =	simm.s32 $0xDA00  }
0xcf: {  	[tilespmem:s21], [sflag:$0x2] =	stream.indirect_vreg.gather [hbm4b:s6+s2], $0x80, v4, vm0, $0xb8;
	[tilespmem:$0x10200] =	vst v63  }
0xd0: {  	s20 =	simm.s32 $0xE200  }
0xd1: {  	[tilespmem:s20], [sflag:$0x2] =	stream.indirect_vreg.gather [hbm4b:s3+s2], $0x80, v3, vm0, $0xb8;
	[tilespmem:$0x10200] =	vst v63  }
0xd2: {  	s21 =	simm.s32 $0xEA00  }
0xd3: {  	[tilespmem:s21], [sflag:$0x2] =	stream.indirect_vreg.gather [hbm4b:s4+s2], $0x80, v3, vm0, $0xb8;
	[tilespmem:$0x10200] =	vst v63  }
0xd4: {  	s20 =	simm.s32 $0xF200  }
0xd5: {  	[tilespmem:s20], [sflag:$0x2] =	stream.indirect_vreg.gather [hbm4b:s5+s2], $0x80, v3, vm0, $0xb8;
	[tilespmem:$0x10200] =	vst v63  }
0xd6: {  	s21 =	simm.s32 $0xFA00  }
0xd7: {  	[tilespmem:s21], [sflag:$0x2] =	stream.indirect_vreg.gather [hbm4b:s6+s2], $0x80, v3, vm0, $0xb8;
	[tilespmem:$0x10200] =	vst v63  }
0xd8: {  	_ =	swait.ge [sflag:s18], $0x8000  }
0xd9: {  	[sflag:s18] =	ssyncset.done $0x0  }
0xda: {  	[sflag:s18] =	ssyncadd.s32 $0xFFFF8000  }
0xdb: {  	_ =	swait.ge [sflag:s19], $0x8000  }
0xdc: {  	[sflag:s19] =	ssyncset.done $0x0  }
0xdd: {  	s1 =	rddreg [dreg:$0x7];
	[sflag:s19] =	ssyncadd.s32 $0xFFFF8000  }
0xde: {  	[hbm4b:s1+s2] =	stream.linear.scatter [tilespmem:s25], [sflag:$0x3], $0x8000, $0x38;
	[tilespmem:$0x10200] =	vst v63  }
0xdf: {  	_ =	swait.ge [sflag:s8], $0x8000  }
0xe0: {  	p0 =	sne.s32 s7, $0x1;
	[sflag:s8] =	ssyncset.done $0x0  }
.Ltmp0:
0xe1: {  	s21 =	rddreg [dreg:$0x8];
	[sflag:s8] =	ssyncadd.s32 $0xFFFF8000;
	(pc) =	sbr.rel @p0 .LBB2_1-.Ltmp0, $4  }
0xe2: {  	[hbm4b:s21+s2] =	stream.linear.scatter [tilespmem:s0], [sflag:$0x3], $0x8000, $0x38;
	[tilespmem:$0x10200] =	vst v63  }
0xe3: {  	_ =	swait.ge [sflag:s8], $0x8000  }
0xe4: {  	[sflag:s8] =	ssyncset.done $0x0  }
0xe5: {  	s7 =	sadd.s32 $0xFFFFFFFF, s7;
	[sflag:s8] =	ssyncadd.s32 $0xFFFF8000  }
0xe6: {  	_ =	sfence.sel $0x180000  }
0xe7: {  	[bflag:$0x0] =	sbarrier.arrive $0xFFFF  }
0xe8: {  	_ =	strace $0x9000004A  }
0xe9: {  	s0 =	stileid.u32;
	[bflag:$0x2] =	sbarrier.arrive $0xFFFF  }
0xea: {  	p0 =	sne.s32 s0, $0x0;
	s0 =	rddreg [dreg:$0x2]  }
0xeb: {  	s0 =	sadd.s32 @!p0 $0x100000, s0  }
0xec: {  	[sflag:s0] =	ssyncadd.tile.s32 @!p0 $0x1;
	_ =	shalt  }
.Lfunc_end2:
_tile_overlayer_lowered:
.L_overlay_start_2:
0xed: {  	(tag) =	ssettag $0x2  }
0xee: {  	s0 =	rddreg [dreg:$0x0];
	s2 =	stileid.u32  }
0xef: {  	s1 =	rddreg [dreg:$0x1];
	p0 =	sne.s32 s2, $0x0  }
0xf0: {  	s3 =	rddreg [dreg:$0x2];
	[bflag:$0x3] =	sbarrier.arrive $0xFFFF;
	s2 =	simm.s32 @!p0 $0x1C03  }
0xf1: {  	[timem:s3], [sflag:s2] =	dma.local @!p0 [hbm:s0], s1  }
0xf2: {  	s0 =	simm.s32 @!p0 $0x3  }
0xf3: {  	_ =	swait.ge @!p0 [sflag:s0], s1  }
0xf4: {  	s1 =	ssub.s32 @!p0 $0x0, s1;
	[sflag:s0] =	ssyncset.done @!p0 $0x0  }
0xf5: {  	[sflag:s0] =	ssyncadd.s32 @!p0 s1  }
0xf6: {  	[bflag:$0x3] =	sbarrier.arrive $0xFFFF  }
0xf7: {  	_ =	shalt  }

// kernel: kernel.7.cloned.1.call-start
scs
__scs_entry_jumppad:
0x0: {  	(pc) =	sbr.rel $0x88, $3  }
0x1: {  	(tag) =	ssettag $0x0;
	lr =	simm.s32 $0x1  }
0x2: {  	[smem:$0x3F99] =	sst lr;
	_ =	strace $0xD0000000  }
0x3: {  	_ = 	snop  }
0x4: {  	_ = 	snop  }
0x5: {  	_ = 	snop  }
0x6: {  	_ = 	snop  }
0x7: {  	_ = 	snop  }
__scs_overlays_trampoline_lowered:
0x8: {  	[smem:$0x3FA8] =	sst s0  }
0x9: {  	[smem:$0x3FA9] =	sst s1  }
0xa: {  	[smem:$0x3FAA] =	sst s2  }
0xb: {  	[smem:$0x3FAB] =	sst s3  }
0xc: {  	[smem:$0x3FAC] =	sst s4  }
0xd: {  	[smem:$0x3FAD] =	sst s5  }
0xe: {  	[smem:$0x3FAE] =	sst s6  }
0xf: {  	[smem:$0x3FAF] =	sst s7  }
0x10: {  	[smem:$0x3FB0] =	sst s8  }
0x11: {  	[smem:$0x3FB1] =	sst s9;
	s0 =	simm.s32 @!p0 $0x0  }
0x12: {  	s1 =	sld [smem:$0x3F97];
	s0 =	simm.s32 @p0 $0x1  }
0x13: {  	[smem:$0x3FB2] =	sst s0;
	s0 =	simm.s32 @!p1 $0x0  }
0x14: {  	s2 =	sld [smem:$0x3F96];
	s0 =	simm.s32 @p1 $0x1  }
0x15: {  	[smem:$0x3FB3] =	sst s0;
	s0 =	simm.s32 @!p2 $0x0  }
0x16: {  	s3 =	sld [smem:$0x3FDB];
	s0 =	simm.s32 @p2 $0x1  }
0x17: {  	s4 =	simm.s32 $0x1BF5;
	[smem:$0x3FB5] =	sst s0  }
0x18: {  	s0 =	sld [smem:$0x3F98];
	_ =	swait.ge [sflag:s4], $0x0  }
0x19: {  	s7 =	sld [smem:$0x3F99]  }
0x1a: {  	s8 =	sadd.s32 $0xFFFFE003, lr  }
0x1b: {  	s9 =	sadd.s32 $0xFFFFFEF7, lr;
	s5 =	simm.s32 $0xFFFFFFFF;
	p2 =	slt.u32 s8, $0xFFFFF086  }
0x1c: {  	p1 =	slt.u32 s9, $0xF7A;
	s5 =	simm.s32 @!p2 $0x0  }
0x1d: {  	s5 =	simm.s32 @p1 $0x1;
	p0 =	seq.s32 s7, s2  }
0x1e: {  	s7 =	smul.u32 @!p0 $0xF7A, s2;
	p2 =	seq.s32 @!p0 s5, $0x0  }
0x1f: {  	s9 =	smul.u32 $0xF7A, s1;
	s8 =	simm.s32 @!p0 $0x1BF5;
	p2 =	por !p2, p0  }
0x20: {  	[sflag:s8] =	ssyncset.s32 @!p0 $0xFFFFF086;
	s6 =	sadd.s32 @!p0 s3, s7;
	s7 =	simm.s32 @!p0 $0x108  }
0x21: {  	s3 =	sadd.s32 s3, s9;
	s6 =	sadd.s32 @!p0 $0x88, s6;
	s7 =	simm.s32 @p2 $0x1082  }
0x22: {  	[simem:s7], [sflag:s8] =	dma.local @!p0 [hbm:s6], $0xF7A  }
0x23: {  	s9 =	sor.u32 $0xD0000000, s2;
	s6 =	simm.s32 $0x108;
	_ =	swait.ge @!p0 [sflag:s8], $0x0  }
0x24: {  	s3 =	sadd.s32 $0x88, s3;
	s6 =	simm.s32 @!p1 $0x1082;
	[sflag:s4] =	ssyncset.s32 $0xFFFFF086  }
0x25: {  	[simem:s6], [sflag:s4] =	dma.local [hbm:s3], $0xF7A  }
0x26: {  	[smem:$0x3F99] =	sst s1;
	(tag) =	ssettag s2;
	_ =	strace s9  }
0x27: {  	s1 =	sld [smem:$0x3FA9]  }
0x28: {  	s2 =	sld [smem:$0x3FAA]  }
0x29: {  	s4 =	sld [smem:$0x3FAC]  }
0x2a: {  	p0 =	seq.s32 s5, $0x0;
	s5 =	sld [smem:$0x3FAD]  }
0x2b: {  	s6 =	sld [smem:$0x3FAE]  }
0x2c: {  	s7 =	sld [smem:$0x3FAF]  }
0x2d: {  	s3 =	simm.s32 $0x108;
	s8 =	sld [smem:$0x3FB0]  }
0x2e: {  	s3 =	simm.s32 @!p0 $0x1082;
	s9 =	sld [smem:$0x3FB1]  }
0x2f: {  	lr =	sadd.s32 s0, s3;
	s0 =	sld [smem:$0x3FA8]  }
0x30: {  	s3 =	sld [smem:$0x3FAB]  }
0x31: {  	[smem:$0x3FB4] =	sst s10  }
0x32: {  	s10 =	sld [smem:$0x3FB2];
	_ =	sdelay $0x3  }
0x33: {  	p0 =	seq.s32 s10, $0x1;
	s10 =	sld [smem:$0x3FB4];
	_ =	sdelay $0x3  }
0x34: {  	[smem:$0x3FB4] =	sst s10  }
0x35: {  	s10 =	sld [smem:$0x3FB3];
	_ =	sdelay $0x3  }
0x36: {  	p1 =	seq.s32 s10, $0x1;
	s10 =	sld [smem:$0x3FB4];
	_ =	sdelay $0x3  }
0x37: {  	[smem:$0x3FB4] =	sst s10  }
0x38: {  	s10 =	sld [smem:$0x3FB5]  }
0x39: {  	_ = 	snop;
	(pc) =	sbr.ind lr, $3  }
0x3a: {  	_ = 	snop  }
0x3b: {  	_ = 	snop  }
0x3c: {  	p2 =	seq.s32 s10, $0x1;
	s10 =	sld [smem:$0x3FB4]  }
0x3d: {  	_ =	shalt  }
0x3e: {  	_ =	shalt  }
0x3f: {  	_ =	shalt  }
0x40: {  	_ =	shalt  }
0x41: {  	_ =	shalt  }
0x42: {  	_ =	shalt  }
0x43: {  	_ =	shalt  }
0x44: {  	_ =	shalt  }
0x45: {  	_ =	shalt  }
0x46: {  	_ =	shalt  }
0x47: {  	_ =	shalt  }
0x48: {  	_ =	shalt  }
0x49: {  	_ =	shalt  }
0x4a: {  	_ =	shalt  }
0x4b: {  	_ =	shalt  }
0x4c: {  	_ =	shalt  }
0x4d: {  	_ =	shalt  }
0x4e: {  	_ =	shalt  }
0x4f: {  	_ =	shalt  }
0x50: {  	_ =	shalt  }
0x51: {  	_ =	shalt  }
0x52: {  	_ =	shalt  }
0x53: {  	_ =	shalt  }
0x54: {  	_ =	shalt  }
0x55: {  	_ =	shalt  }
0x56: {  	_ =	shalt  }
0x57: {  	_ =	shalt  }
0x58: {  	_ =	shalt  }
0x59: {  	_ =	shalt  }
0x5a: {  	_ =	shalt  }
0x5b: {  	_ =	shalt  }
0x5c: {  	_ =	shalt  }
0x5d: {  	_ =	shalt  }
0x5e: {  	_ =	shalt  }
0x5f: {  	_ =	shalt  }
0x60: {  	_ =	shalt  }
0x61: {  	_ =	shalt  }
0x62: {  	_ =	shalt  }
0x63: {  	_ =	shalt  }
0x64: {  	_ =	shalt  }
0x65: {  	_ =	shalt  }
0x66: {  	_ =	shalt  }
0x67: {  	_ =	shalt  }
0x68: {  	_ =	shalt  }
0x69: {  	_ =	shalt  }
0x6a: {  	_ =	shalt  }
0x6b: {  	_ =	shalt  }
0x6c: {  	_ =	shalt  }
0x6d: {  	_ =	shalt  }
0x6e: {  	_ =	shalt  }
0x6f: {  	_ =	shalt  }
0x70: {  	_ =	shalt  }
0x71: {  	_ =	shalt  }
0x72: {  	_ =	shalt  }
0x73: {  	_ =	shalt  }
0x74: {  	_ =	shalt  }
0x75: {  	_ =	shalt  }
0x76: {  	_ =	shalt  }
0x77: {  	_ =	shalt  }
0x78: {  	_ =	shalt  }
0x79: {  	_ =	shalt  }
0x7a: {  	_ =	shalt  }
0x7b: {  	_ =	shalt  }
0x7c: {  	_ =	shalt  }
0x7d: {  	_ =	shalt  }
0x7e: {  	_ =	shalt  }
0x7f: {  	_ =	shalt  }
0x80: {  	_ =	shalt  }
0x81: {  	_ =	shalt  }
0x82: {  	_ =	shalt  }
0x83: {  	_ =	shalt  }
0x84: {  	_ =	shalt  }
0x85: {  	_ =	shalt  }
0x86: {  	_ =	shalt  }
0x87: {  	_ =	shalt  }
.Lfunc_end0:
.L_simem_size_0:
called_computation_lowered:
.L_overlay_start_0:
0x88: {  	s2 =	sld [smem:$0x3FD9]  }
0x89: {  	s3 =	sld [smem:$0x3FFE];
	_ =	sdelay $0x1  }
0x8a: {  	s1 =	srdreg.scid  }
0x8b: {  	s0 =	sand.u32 $0x1, s1  }
0x8c: {  	s17 =	sshll.u32 s0, $0xA;
	s2 =	sadd.s32 s3, s2  }
0x8d: {  	s2 =	sadd.s32 s2, s17  }
0x8e: {  	[smem:$0x3FC0] =	sst s2  }
0x8f: {  	_ = 	snop  }
0x90: {  	s2 =	sld [smem:$0x3FC9];
	(tm) =	ssettm $0x1  }
0x91: {  	s18 =	sld [smem:$0x3FFB];
	_ =	sdelay $0x3  }
0x92: {  	_ =	strace s18  }
0x93: {  	s3 =	sld [smem:$0x3FFC];
	_ =	sdelay $0x3  }
0x94: {  	_ =	strace s3  }
0x95: {  	s3 =	sld [smem:$0x3FFD];
	_ =	sdelay $0x3  }
0x96: {  	_ =	strace s3  }
0x97: {  	_ =	strace $0x8FFFFFFF  }
0x98: {  	s19 =	sld [smem:$0x3FDB];
	_ =	sdelay $0x1  }
0x99: {  	s4 =	simm.s32 $_scs_section_size  }
0x9a: {  	s5 =	simm.s32 $_size__tile_overlayer_lowered;
	s6 =	simm.s32 $_tile_overlayer_lowered  }
0x9b: {  	s22 =	simm.s32 $0x1BFF;
	s21 =	sshll.u32 s6, $0x1;
	s3 =	sadd.s32 s4, s19  }
0x9c: {  	s7 =	simm.s32 $0x0;
	s20 =	sshll.u32 s5, $0x1;
	s5 =	sadd.s32 s21, s3  }
0x9d: {  	[timem:s7], [sflag:s22] =	dma.local [hbm:s5], s20  }
0x9e: {  	_ =	swait.ge [sflag:s22], s20  }
0x9f: {  	s4 =	ssub.s32 $0x0, s20;
	[sflag:s22] =	ssyncset.done $0x0  }
0xa0: {  	[sflag:s22] =	ssyncadd.s32 s4;
	_ =	sdelay $0x1  }
0xa1: {  	s23 =	simm.s32 $0x1B8B  }
0xa2: {  	_ =	swait.ge [sflag:s23], $0x1  }
0xa3: {  	[sflag:s23] =	ssyncset.done $0x0  }
0xa4: {  	s25 =	simm.s32 $0x1B8E;
	s24 =	sld [smem:$0x3FFE];
	[sflag:s23] =	ssyncadd.s32 $0xFFFFFFFF  }
0xa5: {  	s26 =	simm.s32 $execute0_lowered;
	[smem:$0x3FD2] =	sst s25  }
0xa6: {  	s5 =	sshll.u32 s26, $0x1;
	_ =	strace $0x80000046;
	[dreg:$0x1] =	wrdreg $0xFFFFFFFF  }
0xa7: {  	s28 =	simm.s32 $_size_execute0_lowered;
	s3 =	sadd.s32 s3, s5;
	[dreg:$0x0] =	wrdreg $0x0  }
0xa8: {  	s5 =	sshll.u32 s28, $0x1;
	[dreg:$0x2] =	wrdreg s3  }
0xa9: {  	[dreg:$0x3] =	wrdreg s5  }
0xaa: {  	[dreg:$0x4] =	wrdreg $0xC0  }
0xab: {  	_ =	task [dreg:s7], $0x5FFFF  }
0xac: {  	[dreg:$0x1] =	wrdreg $0xFFFFFFFF  }
0xad: {  	[dreg:$0x0] =	wrdreg $0x60  }
0xae: {  	[dreg:$0x2] =	wrdreg s2  }
0xaf: {  	[dreg:$0x3] =	wrdreg s24  }
0xb0: {  	[dreg:$0x4] =	wrdreg $0x9  }
0xb1: {  	_ =	task.clear_ibuf [dreg:s7], $0x5FFFF;
	_ =	strace $0x90000046  }
0xb2: {  	s29 =	simm.s32 $0x9;
	_ =	strace $0x80000048  }
0xb3: {  	_ =	swait.ge [sflag:s29], $0x1  }
0xb4: {  	[sflag:s29] =	ssyncadd.s32 $0xFFFFFFFF  }
0xb5: {  	_ =	strace $0x90000048  }
0xb6: {  	_ =	sfence  }
0xb7: {  	s30 =	sld [smem:$0x0];
	_ =	sdelay $0x2  }
0xb8: {  	s31 =	sshll.u32 s1, $0xD;
	s1 =	sshrl.u32 s1, $0x2  }
0xb9: {  	s3 =	sand.u32 $0x4000, s31;
	s1 =	sadd.s32 s1, s30  }
0xba: {  	s0 =	sor.u32 s3, s0;
	s1 =	sshll.u32 s1, $0x11  }
0xbb: {  	s0 =	sor.u32 s1, s0  }
0xbc: {  	s0 =	sadd.s32 $0x8F2B, s0  }
0xbd: {  	[sflag:s0] =	ssyncadd.remote.s32 $0x1  }
0xbe: {  	_ =	sfence.sel $0xFFFF  }
0xbf: {  	[dreg:$0x0] =	wrdreg $0xFFFFFFFF;
	(pc) =	sbr.abs _section_cstart, $3  }
0xc0: {  	[dreg:$0x1] =	wrdreg $0xFFFFFFFF  }
0xc1: {  	_ =	task.clear_ibuf [dreg:s7], $0x2FFFF;
	_ =	strace $0x9FFFFFFF  }
0xc2: {  	(tm) =	ssettm $0x7FFFFFFF  }
0xc3: {  	_ =	shalt  }
tec
execute0_lowered:
.L_overlay_start_1:
0x0: {  	(tag) =	ssettag $0x1  }
0x1: {  	s0 =	rddreg [dreg:$0x0]  }
0x2: {  	s1 =	rddreg [dreg:$0x1]  }
0x3: {  	s3 =	srdreg.scid;
	s5 =	stileid.u32  }
0x4: {  	s2 =	simm.s32 $0x0;
	s9 =	simm.s32 $0x3;
	s20 =	simm.s32 $0x2  }
0x5: {  	s28 =	simm.s32 $0x2A00;
	s29 =	simm.s32 $0x3200;
	s30 =	simm.s32 $0x3A00  }
0x6: {  	s31 =	simm.s32 $0x4200;
	s10 =	simm.s32 $0x4A00;
	s11 =	simm.s32 $0x5A00  }
0x7: {  	s12 =	simm.s32 $0x6200;
	s13 =	simm.s32 $0x6A00;
	s14 =	simm.s32 $0x7200  }
0x8: {  	s15 =	simm.s32 $0x7A00;
	s16 =	simm.s32 $0x8A00;
	s17 =	simm.s32 $0x9200  }
0x9: {  	s18 =	simm.s32 $0x9A00;
	s19 =	simm.s32 $0xA200;
	s4 =	sand.u32 $0x1, s3  }
0xa: {  	s21 =	sshll.u32 s5, $0x1;
	[smem:$0x7FF] =	sst s2;
	s7 =	sadd.s32 $0x2D00, s1  }
0xb: {  	s3 =	sor.u32 s4, s21;
	_ =	strace $0x80000047;
	s4 =	ssub.s32 $0x2, s4  }
0xc: {  	s22 =	sshll.u32 s3, $0x6;
	s6 =	sshll.u32 s3, $0xE;
	s3 =	sadd.s32 $0x2A00, s1  }
0xd: {  	s23 =	sshrl.u32 s4, $0x1;
	s5 =	sadd.s32 s22, s1;
	s6 =	sand.u32 $0x3C000, s6  }
0xe: {  	s22 =	simm.s32 $0xA00;
	s5 =	sadd.s32 $0x2200, s5;
	s6 =	sadd.s32 s0, s6  }
0xf: {  	s0 =	ssub.s32 s4, s23;
	s4 =	simm.s32 $0x1;
	[dreg:$0x3] =	wrdreg s5  }
0x10: {  	s23 =	simm.s32 $0x1200;
	s24 =	sadd.s32 $0x1000, s6;
	[dreg:$0x7] =	wrdreg s6  }
0x11: {  	s25 =	sadd.s32 $0x2000, s6;
	s5 =	sadd.s32 $0x2B00, s1;
	[dreg:$0x4] =	wrdreg s24  }
0x12: {  	v2 =	vlaneseq.u32;
	s26 =	sadd.s32 $0x3000, s6;
	s6 =	sadd.s32 $0x2C00, s1;
	[dreg:$0x5] =	wrdreg s25  }
0x13: {  	vm0 =	vmmov $0xffff;
	v1 =	vshrl.u32 v2, $0x3;
	s8 =	smax.u32 s0, $0x1;
	s1 =	simm.s32 $0x5200;
	[dreg:$0x6] =	wrdreg s26  }
0x14: {  	v0 =	vand.u32 $0x7, v2;
	v2 =	vor.u32 $0x8, v2;
	v1 =	vmul.u32 $0x8, v1;
	s26 =	simm.s32 $0x200;
	s24 =	simm.s32 $0x1A00;
	s25 =	simm.s32 $0x2200  }
.LBB2_1:
0x15: {  	s21 =	rddreg [dreg:$0x3]  }
0x16: {  	[tilespmem:s2], [sflag:$0x3] =	stream.linear.gather [hbm4b:s21+s2], $0x200, $0x38;
	[tilespmem:$0x10200] =	vst v63  }
0x17: {  	_ =	swait.ge [sflag:s9], $0x200  }
0x18: {  	[sflag:s9] =	ssyncset.done $0x0  }
0x19: {  	s0 =	rddreg [dreg:$0x7];
	[sflag:s9] =	ssyncadd.s32 $0xFFFFFE00  }
0x1a: {  	[tilespmem:s26], [sflag:$0x3] =	stream.linear.gather [hbm4b:s0+s2], $0x8000, $0x38;
	[tilespmem:$0x10200] =	vst v63  }
0x1b: {  	_ =	swait.ge [sflag:s9], $0x8000  }
0x1c: {  	[sflag:s9] =	ssyncset.done $0x0  }
0x1d: {  	[sflag:s9] =	ssyncadd.s32 $0xFFFF8000  }
0x1e: {  	v3 =	vld [tilespmem:$0x0];
	_ =	sdelay $0x4  }
0x1f: {  	v4 =	vshll.u32 v3, $0x3  }
0x20: {  	v3 =	vand.u32 $0x7, v3;
	v4 =	vand.u32 $0xFFFFFFC0, v4  }
0x21: {  	v3 =	vor.u32 v3, v4  }
0x22: {  	v4 =	vperm.xlane v3, v0;
	_ =	sdelay $0x1  }
0x23: {  	v4 =	vadd.s32 v1, v4;
	_ =	sdelay $0x4  }
0x24: {  	[hbm4b:s3+s2] =	stream.indirect_vreg.scatter [tilespmem:s26], [sflag:$0x1], $0x80, v4, vm0, $0xb8;
	[tilespmem:$0x10200] =	vst v63  }
0x25: {  	v3 =	vperm.xlane v3, v2  }
0x26: {  	[hbm4b:s5+s2] =	stream.indirect_vreg.scatter [tilespmem:s22], [sflag:$0x1], $0x80, v4, vm0, $0xb8;
	[tilespmem:$0x10200] =	vst v63  }
0x27: {  	v3 =	vadd.s32 v1, v3  }
0x28: {  	[hbm4b:s6+s2] =	stream.indirect_vreg.scatter [tilespmem:s23], [sflag:$0x1], $0x80, v4, vm0, $0xb8;
	[tilespmem:$0x10200] =	vst v63  }
0x29: {  	_ = 	snop  }
0x2a: {  	[hbm4b:s7+s2] =	stream.indirect_vreg.scatter [tilespmem:s24], [sflag:$0x1], $0x80, v4, vm0, $0xb8;
	[tilespmem:$0x10200] =	vst v63  }
0x2b: {  	_ = 	snop  }
0x2c: {  	[hbm4b:s3+s2] =	stream.indirect_vreg.scatter [tilespmem:s25], [sflag:$0x1], $0x80, v3, vm0, $0xb8;
	[tilespmem:$0x10200] =	vst v63  }
0x2d: {  	_ = 	snop  }
0x2e: {  	[hbm4b:s5+s2] =	stream.indirect_vreg.scatter [tilespmem:s28], [sflag:$0x1], $0x80, v3, vm0, $0xb8;
	[tilespmem:$0x10200] =	vst v63  }
0x2f: {  	_ = 	snop  }
0x30: {  	[hbm4b:s6+s2] =	stream.indirect_vreg.scatter [tilespmem:s29], [sflag:$0x1], $0x80, v3, vm0, $0xb8;
	[tilespmem:$0x10200] =	vst v63  }
0x31: {  	_ = 	snop  }
0x32: {  	[hbm4b:s7+s2] =	stream.indirect_vreg.scatter [tilespmem:s30], [sflag:$0x1], $0x80, v3, vm0, $0xb8;
	[tilespmem:$0x10200] =	vst v63  }
0x33: {  	v3 =	vld [tilespmem:$0x10];
	_ =	sdelay $0x4  }
0x34: {  	v57 =	vshll.u32 v3, $0x3  }
0x35: {  	v3 =	vand.u32 $0x7, v3;
	v4 =	vand.u32 $0xFFFFFFC0, v57  }
0x36: {  	v3 =	vor.u32 v3, v4  }
0x37: {  	v4 =	vperm.xlane v3, v0;
	_ =	sdelay $0x1  }
0x38: {  	v4 =	vadd.s32 v1, v4;
	_ =	sdelay $0x4  }
0x39: {  	[hbm4b:s3+s2] =	stream.indirect_vreg.scatter [tilespmem:s31], [sflag:$0x1], $0x80, v4, vm0, $0xb8;
	[tilespmem:$0x10200] =	vst v63  }
0x3a: {  	v3 =	vperm.xlane v3, v2  }
0x3b: {  	[hbm4b:s5+s2] =	stream.indirect_vreg.scatter [tilespmem:s10], [sflag:$0x1], $0x80, v4, vm0, $0xb8;
	[tilespmem:$0x10200] =	vst v63  }
0x3c: {  	v3 =	vadd.s32 v1, v3  }
0x3d: {  	[hbm4b:s6+s2] =	stream.indirect_vreg.scatter [tilespmem:s1], [sflag:$0x1], $0x80, v4, vm0, $0xb8;
	[tilespmem:$0x10200] =	vst v63  }
0x3e: {  	_ = 	snop  }
0x3f: {  	[hbm4b:s7+s2] =	stream.indirect_vreg.scatter [tilespmem:s11], [sflag:$0x1], $0x80, v4, vm0, $0xb8;
	[tilespmem:$0x10200] =	vst v63  }
0x40: {  	_ = 	snop  }
0x41: {  	[hbm4b:s3+s2] =	stream.indirect_vreg.scatter [tilespmem:s12], [sflag:$0x1], $0x80, v3, vm0, $0xb8;
	[tilespmem:$0x10200] =	vst v63  }
0x42: {  	_ = 	snop  }
0x43: {  	[hbm4b:s5+s2] =	stream.indirect_vreg.scatter [tilespmem:s13], [sflag:$0x1], $0x80, v3, vm0, $0xb8;
	[tilespmem:$0x10200] =	vst v63  }
0x44: {  	_ = 	snop  }
0x45: {  	[hbm4b:s6+s2] =	stream.indirect_vreg.scatter [tilespmem:s14], [sflag:$0x1], $0x80, v3, vm0, $0xb8;
	[tilespmem:$0x10200] =	vst v63  }
0x46: {  	_ = 	snop  }
0x47: {  	[hbm4b:s7+s2] =	stream.indirect_vreg.scatter [tilespmem:s15], [sflag:$0x1], $0x80, v3, vm0, $0xb8;
	[tilespmem:$0x10200] =	vst v63  }
0x48: {  	s0 =	simm.s32 $0x8200;
	s21 =	rddreg [dreg:$0x4]  }
0x49: {  	[tilespmem:s0], [sflag:$0x3] =	stream.linear.gather [hbm4b:s21+s2], $0x8000, $0x38;
	[tilespmem:$0x10200] =	vst v63  }
0x4a: {  	_ =	swait.ge [sflag:s9], $0x8000  }
0x4b: {  	[sflag:s9] =	ssyncset.done $0x0  }
0x4c: {  	[sflag:s9] =	ssyncadd.s32 $0xFFFF8000  }
0x4d: {  	v3 =	vld [tilespmem:$0x80];
	_ =	sdelay $0x4  }
0x4e: {  	v58 =	vshll.u32 v3, $0x3  }
0x4f: {  	v3 =	vand.u32 $0x7, v3;
	v4 =	vand.u32 $0xFFFFFFC0, v58  }
0x50: {  	v3 =	vor.u32 v3, v4  }
0x51: {  	v4 =	vperm.xlane v3, v0;
	_ =	sdelay $0x1  }
0x52: {  	v4 =	vadd.s32 v1, v4;
	_ =	sdelay $0x4  }
0x53: {  	[hbm4b:s3+s2] =	stream.indirect_vreg.scatter [tilespmem:s0], [sflag:$0x2], $0x80, v4, vm0, $0xb8;
	[tilespmem:$0x10200] =	vst v63  }
0x54: {  	v3 =	vperm.xlane v3, v2  }
0x55: {  	[hbm4b:s5+s2] =	stream.indirect_vreg.scatter [tilespmem:s16], [sflag:$0x2], $0x80, v4, vm0, $0xb8;
	[tilespmem:$0x10200] =	vst v63  }
0x56: {  	v3 =	vadd.s32 v1, v3  }
0x57: {  	[hbm4b:s6+s2] =	stream.indirect_vreg.scatter [tilespmem:s17], [sflag:$0x2], $0x80, v4, vm0, $0xb8;
	[tilespmem:$0x10200] =	vst v63  }
0x58: {  	_ = 	snop  }
0x59: {  	[hbm4b:s7+s2] =	stream.indirect_vreg.scatter [tilespmem:s18], [sflag:$0x2], $0x80, v4, vm0, $0xb8;
	[tilespmem:$0x10200] =	vst v63  }
0x5a: {  	_ = 	snop  }
0x5b: {  	[hbm4b:s3+s2] =	stream.indirect_vreg.scatter [tilespmem:s19], [sflag:$0x2], $0x80, v3, vm0, $0xb8;
	[tilespmem:$0x10200] =	vst v63  }
0x5c: {  	s21 =	simm.s32 $0xAA00  }
0x5d: {  	[hbm4b:s5+s2] =	stream.indirect_vreg.scatter [tilespmem:s21], [sflag:$0x2], $0x80, v3, vm0, $0xb8;
	[tilespmem:$0x10200] =	vst v63  }
0x5e: {  	s21 =	simm.s32 $0xB200  }
0x5f: {  	[hbm4b:s6+s2] =	stream.indirect_vreg.scatter [tilespmem:s21], [sflag:$0x2], $0x80, v3, vm0, $0xb8;
	[tilespmem:$0x10200] =	vst v63  }
0x60: {  	s21 =	simm.s32 $0xBA00  }
0x61: {  	[hbm4b:s7+s2] =	stream.indirect_vreg.scatter [tilespmem:s21], [sflag:$0x2], $0x80, v3, vm0, $0xb8;
	[tilespmem:$0x10200] =	vst v63  }
0x62: {  	v3 =	vld [tilespmem:$0x90];
	_ =	sdelay $0x4  }
0x63: {  	v59 =	vshll.u32 v3, $0x3  }
0x64: {  	v3 =	vand.u32 $0x7, v3;
	v4 =	vand.u32 $0xFFFFFFC0, v59  }
0x65: {  	v3 =	vor.u32 v3, v4  }
0x66: {  	v4 =	vperm.xlane v3, v0;
	_ =	sdelay $0x1  }
0x67: {  	v4 =	vadd.s32 v1, v4;
	_ =	sdelay $0x3  }
0x68: {  	s21 =	simm.s32 $0xC200  }
0x69: {  	[hbm4b:s3+s2] =	stream.indirect_vreg.scatter [tilespmem:s21], [sflag:$0x2], $0x80, v4, vm0, $0xb8;
	[tilespmem:$0x10200] =	vst v63  }
0x6a: {  	v3 =	vperm.xlane v3, v2;
	s21 =	simm.s32 $0xCA00  }
0x6b: {  	[hbm4b:s5+s2] =	stream.indirect_vreg.scatter [tilespmem:s21], [sflag:$0x2], $0x80, v4, vm0, $0xb8;
	[tilespmem:$0x10200] =	vst v63  }
0x6c: {  	v3 =	vadd.s32 v1, v3;
	s21 =	simm.s32 $0xD200  }
0x6d: {  	[hbm4b:s6+s2] =	stream.indirect_vreg.scatter [tilespmem:s21], [sflag:$0x2], $0x80, v4, vm0, $0xb8;
	[tilespmem:$0x10200] =	vst v63  }
0x6e: {  	s21 =	simm.s32 $0xDA00  }
0x6f: {  	[hbm4b:s7+s2] =	stream.indirect_vreg.scatter [tilespmem:s21], [sflag:$0x2], $0x80, v4, vm0, $0xb8;
	[tilespmem:$0x10200] =	vst v63  }
0x70: {  	s21 =	simm.s32 $0xE200  }
0x71: {  	[hbm4b:s3+s2] =	stream.indirect_vreg.scatter [tilespmem:s21], [sflag:$0x2], $0x80, v3, vm0, $0xb8;
	[tilespmem:$0x10200] =	vst v63  }
0x72: {  	s21 =	simm.s32 $0xEA00  }
0x73: {  	[hbm4b:s5+s2] =	stream.indirect_vreg.scatter [tilespmem:s21], [sflag:$0x2], $0x80, v3, vm0, $0xb8;
	[tilespmem:$0x10200] =	vst v63  }
0x74: {  	s21 =	simm.s32 $0xF200  }
0x75: {  	[hbm4b:s6+s2] =	stream.indirect_vreg.scatter [tilespmem:s21], [sflag:$0x2], $0x80, v3, vm0, $0xb8;
	[tilespmem:$0x10200] =	vst v63  }
0x76: {  	s21 =	simm.s32 $0xFA00  }
0x77: {  	[hbm4b:s7+s2] =	stream.indirect_vreg.scatter [tilespmem:s21], [sflag:$0x2], $0x80, v3, vm0, $0xb8;
	[tilespmem:$0x10200] =	vst v63  }
0x78: {  	_ =	swait.ge [sflag:s4], $0x8000  }
0x79: {  	[sflag:s4] =	ssyncset.done $0x0  }
0x7a: {  	s21 =	rddreg [dreg:$0x5];
	[sflag:s4] =	ssyncadd.s32 $0xFFFF8000  }
0x7b: {  	[tilespmem:s26], [sflag:$0x3] =	stream.linear.gather [hbm4b:s21+s2], $0x8000, $0x38;
	[tilespmem:$0x10200] =	vst v63  }
0x7c: {  	_ =	swait.ge [sflag:s9], $0x8000  }
0x7d: {  	[sflag:s9] =	ssyncset.done $0x0  }
0x7e: {  	[sflag:s9] =	ssyncadd.s32 $0xFFFF8000  }
0x7f: {  	v3 =	vld [tilespmem:$0x100];
	_ =	sdelay $0x4  }
0x80: {  	v60 =	vshll.u32 v3, $0x3  }
0x81: {  	v3 =	vand.u32 $0x7, v3;
	v4 =	vand.u32 $0xFFFFFFC0, v60  }
0x82: {  	v3 =	vor.u32 v3, v4  }
0x83: {  	v4 =	vperm.xlane v3, v0;
	_ =	sdelay $0x1  }
0x84: {  	v4 =	vadd.s32 v1, v4;
	_ =	sdelay $0x4  }
0x85: {  	[hbm4b:s3+s2] =	stream.indirect_vreg.scatter [tilespmem:s26], [sflag:$0x1], $0x80, v4, vm0, $0xb8;
	[tilespmem:$0x10200] =	vst v63  }
0x86: {  	v3 =	vperm.xlane v3, v2  }
0x87: {  	[hbm4b:s5+s2] =	stream.indirect_vreg.scatter [tilespmem:s22], [sflag:$0x1], $0x80, v4, vm0, $0xb8;
	[tilespmem:$0x10200] =	vst v63  }
0x88: {  	v3 =	vadd.s32 v1, v3  }
0x89: {  	[hbm4b:s6+s2] =	stream.indirect_vreg.scatter [tilespmem:s23], [sflag:$0x1], $0x80, v4, vm0, $0xb8;
	[tilespmem:$0x10200] =	vst v63  }
0x8a: {  	_ = 	snop  }
0x8b: {  	[hbm4b:s7+s2] =	stream.indirect_vreg.scatter [tilespmem:s24], [sflag:$0x1], $0x80, v4, vm0, $0xb8;
	[tilespmem:$0x10200] =	vst v63  }
0x8c: {  	_ = 	snop  }
0x8d: {  	[hbm4b:s3+s2] =	stream.indirect_vreg.scatter [tilespmem:s25], [sflag:$0x1], $0x80, v3, vm0, $0xb8;
	[tilespmem:$0x10200] =	vst v63  }
0x8e: {  	_ = 	snop  }
0x8f: {  	[hbm4b:s5+s2] =	stream.indirect_vreg.scatter [tilespmem:s28], [sflag:$0x1], $0x80, v3, vm0, $0xb8;
	[tilespmem:$0x10200] =	vst v63  }
0x90: {  	_ = 	snop  }
0x91: {  	[hbm4b:s6+s2] =	stream.indirect_vreg.scatter [tilespmem:s29], [sflag:$0x1], $0x80, v3, vm0, $0xb8;
	[tilespmem:$0x10200] =	vst v63  }
0x92: {  	_ = 	snop  }
0x93: {  	[hbm4b:s7+s2] =	stream.indirect_vreg.scatter [tilespmem:s30], [sflag:$0x1], $0x80, v3, vm0, $0xb8;
	[tilespmem:$0x10200] =	vst v63  }
0x94: {  	v3 =	vld [tilespmem:$0x110];
	_ =	sdelay $0x4  }
0x95: {  	v61 =	vshll.u32 v3, $0x3  }
0x96: {  	v3 =	vand.u32 $0x7, v3;
	v4 =	vand.u32 $0xFFFFFFC0, v61  }
0x97: {  	v3 =	vor.u32 v3, v4  }
0x98: {  	v4 =	vperm.xlane v3, v0;
	_ =	sdelay $0x1  }
0x99: {  	v4 =	vadd.s32 v1, v4;
	_ =	sdelay $0x4  }
0x9a: {  	[hbm4b:s3+s2] =	stream.indirect_vreg.scatter [tilespmem:s31], [sflag:$0x1], $0x80, v4, vm0, $0xb8;
	[tilespmem:$0x10200] =	vst v63  }
0x9b: {  	v3 =	vperm.xlane v3, v2  }
0x9c: {  	[hbm4b:s5+s2] =	stream.indirect_vreg.scatter [tilespmem:s10], [sflag:$0x1], $0x80, v4, vm0, $0xb8;
	[tilespmem:$0x10200] =	vst v63  }
0x9d: {  	v3 =	vadd.s32 v1, v3  }
0x9e: {  	[hbm4b:s6+s2] =	stream.indirect_vreg.scatter [tilespmem:s1], [sflag:$0x1], $0x80, v4, vm0, $0xb8;
	[tilespmem:$0x10200] =	vst v63  }
0x9f: {  	_ = 	snop  }
0xa0: {  	[hbm4b:s7+s2] =	stream.indirect_vreg.scatter [tilespmem:s11], [sflag:$0x1], $0x80, v4, vm0, $0xb8;
	[tilespmem:$0x10200] =	vst v63  }
0xa1: {  	_ = 	snop  }
0xa2: {  	[hbm4b:s3+s2] =	stream.indirect_vreg.scatter [tilespmem:s12], [sflag:$0x1], $0x80, v3, vm0, $0xb8;
	[tilespmem:$0x10200] =	vst v63  }
0xa3: {  	_ = 	snop  }
0xa4: {  	[hbm4b:s5+s2] =	stream.indirect_vreg.scatter [tilespmem:s13], [sflag:$0x1], $0x80, v3, vm0, $0xb8;
	[tilespmem:$0x10200] =	vst v63  }
0xa5: {  	_ = 	snop  }
0xa6: {  	[hbm4b:s6+s2] =	stream.indirect_vreg.scatter [tilespmem:s14], [sflag:$0x1], $0x80, v3, vm0, $0xb8;
	[tilespmem:$0x10200] =	vst v63  }
0xa7: {  	_ = 	snop  }
0xa8: {  	[hbm4b:s7+s2] =	stream.indirect_vreg.scatter [tilespmem:s15], [sflag:$0x1], $0x80, v3, vm0, $0xb8;
	[tilespmem:$0x10200] =	vst v63  }
0xa9: {  	_ =	swait.ge [sflag:s20], $0x8000  }
0xaa: {  	[sflag:s20] =	ssyncset.done $0x0  }
0xab: {  	s21 =	rddreg [dreg:$0x6];
	[sflag:s20] =	ssyncadd.s32 $0xFFFF8000  }
0xac: {  	[tilespmem:s0], [sflag:$0x3] =	stream.linear.gather [hbm4b:s21+s2], $0x8000, $0x38;
	[tilespmem:$0x10200] =	vst v63  }
0xad: {  	_ =	swait.ge [sflag:s9], $0x8000  }
0xae: {  	[sflag:s9] =	ssyncset.done $0x0  }
0xaf: {  	[sflag:s9] =	ssyncadd.s32 $0xFFFF8000  }
0xb0: {  	v3 =	vld [tilespmem:$0x180];
	_ =	sdelay $0x4  }
0xb1: {  	v62 =	vshll.u32 v3, $0x3  }
0xb2: {  	v3 =	vand.u32 $0x7, v3;
	v4 =	vand.u32 $0xFFFFFFC0, v62  }
0xb3: {  	v3 =	vor.u32 v3, v4  }
0xb4: {  	v4 =	vperm.xlane v3, v0;
	_ =	sdelay $0x1  }
0xb5: {  	v4 =	vadd.s32 v1, v4;
	_ =	sdelay $0x4  }
0xb6: {  	[hbm4b:s3+s2] =	stream.indirect_vreg.scatter [tilespmem:s0], [sflag:$0x2], $0x80, v4, vm0, $0xb8;
	[tilespmem:$0x10200] =	vst v63  }
0xb7: {  	v3 =	vperm.xlane v3, v2  }
0xb8: {  	[hbm4b:s5+s2] =	stream.indirect_vreg.scatter [tilespmem:s16], [sflag:$0x2], $0x80, v4, vm0, $0xb8;
	[tilespmem:$0x10200] =	vst v63  }
0xb9: {  	v3 =	vadd.s32 v1, v3  }
0xba: {  	[hbm4b:s6+s2] =	stream.indirect_vreg.scatter [tilespmem:s17], [sflag:$0x2], $0x80, v4, vm0, $0xb8;
	[tilespmem:$0x10200] =	vst v63  }
0xbb: {  	_ = 	snop  }
0xbc: {  	[hbm4b:s7+s2] =	stream.indirect_vreg.scatter [tilespmem:s18], [sflag:$0x2], $0x80, v4, vm0, $0xb8;
	[tilespmem:$0x10200] =	vst v63  }
0xbd: {  	_ = 	snop  }
0xbe: {  	[hbm4b:s3+s2] =	stream.indirect_vreg.scatter [tilespmem:s19], [sflag:$0x2], $0x80, v3, vm0, $0xb8;
	[tilespmem:$0x10200] =	vst v63  }
0xbf: {  	s21 =	simm.s32 $0xAA00  }
0xc0: {  	[hbm4b:s5+s2] =	stream.indirect_vreg.scatter [tilespmem:s21], [sflag:$0x2], $0x80, v3, vm0, $0xb8;
	[tilespmem:$0x10200] =	vst v63  }
0xc1: {  	s21 =	simm.s32 $0xB200  }
0xc2: {  	[hbm4b:s6+s2] =	stream.indirect_vreg.scatter [tilespmem:s21], [sflag:$0x2], $0x80, v3, vm0, $0xb8;
	[tilespmem:$0x10200] =	vst v63  }
0xc3: {  	s21 =	simm.s32 $0xBA00  }
0xc4: {  	[hbm4b:s7+s2] =	stream.indirect_vreg.scatter [tilespmem:s21], [sflag:$0x2], $0x80, v3, vm0, $0xb8;
	[tilespmem:$0x10200] =	vst v63  }
0xc5: {  	v3 =	vld [tilespmem:$0x190];
	_ =	sdelay $0x4  }
0xc6: {  	v63 =	vshll.u32 v3, $0x3  }
0xc7: {  	v3 =	vand.u32 $0x7, v3;
	v4 =	vand.u32 $0xFFFFFFC0, v63  }
0xc8: {  	v3 =	vor.u32 v3, v4  }
0xc9: {  	v4 =	vperm.xlane v3, v0;
	_ =	sdelay $0x1  }
0xca: {  	v4 =	vadd.s32 v1, v4;
	_ =	sdelay $0x3  }
0xcb: {  	s21 =	simm.s32 $0xC200  }
0xcc: {  	[hbm4b:s3+s2] =	stream.indirect_vreg.scatter [tilespmem:s21], [sflag:$0x2], $0x80, v4, vm0, $0xb8;
	[tilespmem:$0x10200] =	vst v63  }
0xcd: {  	v3 =	vperm.xlane v3, v2;
	s21 =	simm.s32 $0xCA00  }
0xce: {  	[hbm4b:s5+s2] =	stream.indirect_vreg.scatter [tilespmem:s21], [sflag:$0x2], $0x80, v4, vm0, $0xb8;
	[tilespmem:$0x10200] =	vst v63  }
0xcf: {  	v3 =	vadd.s32 v1, v3;
	s21 =	simm.s32 $0xD200  }
0xd0: {  	[hbm4b:s6+s2] =	stream.indirect_vreg.scatter [tilespmem:s21], [sflag:$0x2], $0x80, v4, vm0, $0xb8;
	[tilespmem:$0x10200] =	vst v63  }
0xd1: {  	s21 =	simm.s32 $0xDA00  }
0xd2: {  	[hbm4b:s7+s2] =	stream.indirect_vreg.scatter [tilespmem:s21], [sflag:$0x2], $0x80, v4, vm0, $0xb8;
	[tilespmem:$0x10200] =	vst v63  }
0xd3: {  	s21 =	simm.s32 $0xE200  }
0xd4: {  	[hbm4b:s3+s2] =	stream.indirect_vreg.scatter [tilespmem:s21], [sflag:$0x2], $0x80, v3, vm0, $0xb8;
	[tilespmem:$0x10200] =	vst v63  }
0xd5: {  	s21 =	simm.s32 $0xEA00  }
0xd6: {  	[hbm4b:s5+s2] =	stream.indirect_vreg.scatter [tilespmem:s21], [sflag:$0x2], $0x80, v3, vm0, $0xb8;
	[tilespmem:$0x10200] =	vst v63  }
0xd7: {  	s21 =	simm.s32 $0xF200  }
0xd8: {  	[hbm4b:s6+s2] =	stream.indirect_vreg.scatter [tilespmem:s21], [sflag:$0x2], $0x80, v3, vm0, $0xb8;
	[tilespmem:$0x10200] =	vst v63  }
0xd9: {  	s21 =	simm.s32 $0xFA00  }
0xda: {  	[hbm4b:s7+s2] =	stream.indirect_vreg.scatter [tilespmem:s21], [sflag:$0x2], $0x80, v3, vm0, $0xb8;
	[tilespmem:$0x10200] =	vst v63  }
0xdb: {  	p0 =	sne.s32 s8, $0x1;
	_ =	swait.ge [sflag:s4], $0x8000  }
.Ltmp0:
0xdc: {  	[sflag:s4] =	ssyncset.done $0x0;
	(pc) =	sbr.rel @p0 .LBB2_1-.Ltmp0, $4  }
0xdd: {  	[sflag:s4] =	ssyncadd.s32 $0xFFFF8000  }
0xde: {  	_ =	swait.ge [sflag:s20], $0x8000  }
0xdf: {  	[sflag:s20] =	ssyncset.done $0x0  }
0xe0: {  	s8 =	sadd.s32 $0xFFFFFFFF, s8;
	[sflag:s20] =	ssyncadd.s32 $0xFFFF8000  }
0xe1: {  	_ =	sfence.sel $0x180000  }
0xe2: {  	[bflag:$0x0] =	sbarrier.arrive $0xFFFF  }
0xe3: {  	_ =	strace $0x90000047  }
0xe4: {  	s0 =	stileid.u32;
	[bflag:$0x2] =	sbarrier.arrive $0xFFFF  }
0xe5: {  	p0 =	sne.s32 s0, $0x0;
	s0 =	rddreg [dreg:$0x2]  }
0xe6: {  	s0 =	sadd.s32 @!p0 $0x100000, s0  }
0xe7: {  	[sflag:s0] =	ssyncadd.tile.s32 @!p0 $0x1;
	_ =	shalt  }
.Lfunc_end2:
_tile_overlayer_lowered:
.L_overlay_start_2:
0xe8: {  	(tag) =	ssettag $0x2  }
0xe9: {  	s0 =	rddreg [dreg:$0x0];
	s2 =	stileid.u32  }
0xea: {  	s1 =	rddreg [dreg:$0x1];
	p0 =	sne.s32 s2, $0x0  }
0xeb: {  	s3 =	rddreg [dreg:$0x2];
	[bflag:$0x3] =	sbarrier.arrive $0xFFFF;
	s2 =	simm.s32 @!p0 $0x1C03  }
0xec: {  	[timem:s3], [sflag:s2] =	dma.local @!p0 [hbm:s0], s1  }
0xed: {  	s0 =	simm.s32 @!p0 $0x3  }
0xee: {  	_ =	swait.ge @!p0 [sflag:s0], s1  }
0xef: {  	s1 =	ssub.s32 @!p0 $0x0, s1;
	[sflag:s0] =	ssyncset.done @!p0 $0x0  }
0xf0: {  	[sflag:s0] =	ssyncadd.s32 @!p0 s1  }
0xf1: {  	[bflag:$0x3] =	sbarrier.arrive $0xFFFF  }
0xf2: {  	_ =	shalt  }

</sc_bundles>
